<compile_context>
chip_gen: v7x
topology: tpu7x:2x2x1
jax: 0.10.2.dev20260603
libtpu: 0.0.44.dev20260713+nightly
codegen_flags: <defaults>
</compile_context>

<pallas_src>
import functools

import jax
import jax.numpy as jnp
from jax import lax
from jax.experimental import pallas as pl
from jax.experimental.pallas import tpu as pltpu
from jax.experimental.pallas import tpu_sc as plsc


def _make_avg_sc(B, C, V, D, DP):
    info = plsc.get_sparse_core_info()
    NC, NS, L = info.num_cores, info.num_subcores, info.num_lanes
    NW = NC * NS
    assert B % NW == 0 and D % L == 0
    b_per_w = B // NW
    n_idx = b_per_w * C
    n_vec = D // L
    NCH = 4
    rows_per_ch = b_per_w // NCH
    idx_per_ch = rows_per_ch * C
    mesh = plsc.VectorSubcoreMesh(core_axis_name="c", subcore_axis_name="s")

    def slices(total):
        out, off = [], 0
        while off < total:
            ln = min(128, total - off)
            out.append((off, ln))
            off += ln
        return out

    @functools.partial(
        pl.kernel,
        mesh=mesh,
        compiler_params=pltpu.CompilerParams(use_tc_tiling_on_sc=False),
        out_type=jax.ShapeDtypeStruct((B, D), jnp.float32),
        scratch_types=[
            pltpu.VMEM((n_idx,), jnp.int32),
            pltpu.VMEM((idx_per_ch, D), jnp.float32),
            pltpu.VMEM((idx_per_ch, D), jnp.float32),
            pltpu.VMEM((b_per_w, D), jnp.float32),
            pltpu.SemaphoreType.DMA,
        ],
    )
    def avg_kernel(ctx_hbm, table_hbm, out_hbm, idx_v, rows_a, rows_b, avg_v, sem):
        wid = lax.axis_index("s") * NC + lax.axis_index("c")
        base = wid * b_per_w
        bufs = [rows_a, rows_b]
        pltpu.sync_copy(ctx_hbm.at[pl.ds(base * C, n_idx)], idx_v)
        mul = DP // D

        def dbl_body(i, carry):
            idx_v[pl.ds(i * L, L)] = idx_v[pl.ds(i * L, L)] * mul
            return carry

        lax.fori_loop(0, n_idx // L, dbl_body, jnp.int32(0))

        def fire(ch):
            buf = bufs[ch % 2]
            return [
                pltpu.async_copy(
                    table_hbm.at[idx_v.at[pl.ds(ch * idx_per_ch + o, ln)]],
                    buf.at[pl.ds(o, ln)],
                    sem,
                )
                for o, ln in slices(idx_per_ch)
            ]

        inv_c = jnp.float32(1.0 / C)

        def reduce_chunk(ch):
            buf = bufs[ch % 2]

            def row_body(bi, carry):
                rb = bi * C
                unroll = 2
                assert C % unroll == 0

                def ctx_body(ci, accs):
                    for u in range(unroll):
                        accs = tuple(
                            accs[v] + buf[rb + ci * unroll + u, pl.ds(v * L, L)]
                            for v in range(n_vec)
                        )
                    return accs

                accs = lax.fori_loop(
                    0, C // unroll, ctx_body,
                    tuple(jnp.zeros((L,), jnp.float32) for _ in range(n_vec)),
                )
                for v in range(n_vec):
                    avg_v[ch * rows_per_ch + bi, pl.ds(v * L, L)] = accs[v] * inv_c
                return carry

            lax.fori_loop(0, rows_per_ch, row_body, jnp.int32(0))

        pending = fire(0)
        for ch in range(NCH):
            for h in pending:
                h.wait()
            pending = fire(ch + 1) if ch + 1 < NCH else []
            reduce_chunk(ch)

        pltpu.sync_copy(avg_v, out_hbm.at[pl.ds(base, b_per_w)])

    return avg_kernel


def _logits_t_tc(avg, Wt, b2, BN=2048):
    B, D = avg.shape
    V = Wt.shape[1]

    def mm(avg_ref, w_ref, b_ref, out_ref):
        acc = lax.dot_general(
            w_ref[...], avg_ref[...],
            (((0,), (1,)), ((), ())),
            preferred_element_type=jnp.float32,
        )
        ones = jnp.ones((B, 1), jnp.float32)
        bias = lax.dot_general(
            b_ref[...], ones,
            (((0,), (1,)), ((), ())),
            preferred_element_type=jnp.float32,
        )
        out_ref[...] = acc + bias

    return pl.pallas_call(
        mm,
        grid=(pl.cdiv(V, BN),),
        in_specs=[
            pl.BlockSpec((B, D), lambda i: (0, 0)),
            pl.BlockSpec((D, BN), lambda i: (0, i)),
            pl.BlockSpec((1, BN), lambda i: (0, i)),
        ],
        out_specs=pl.BlockSpec((BN, B), lambda i: (i, 0)),
        out_shape=jax.ShapeDtypeStruct((V, B), jnp.float32),
    )(avg, Wt, b2)


def kernel(contexts, table, W, b):
    B, C = contexts.shape
    V, D = table.shape
    DP = 128
    table_pad = jnp.pad(table, ((0, 0), (0, DP - D)))
    table_rows = table_pad.reshape(V * (DP // D), D)
    avg = _make_avg_sc(B, C, V, D, DP)(contexts.reshape(-1), table_rows)
    logits_t = _logits_t_tc(avg, W.T, b.reshape(1, V))
    return logits_t.T

# --- scband reference (transcript-rebuilt; emitter-appended) ---
"""Pipeline reference for scband-cbow-28544352649256 (READ-ONLY COPY).

The authoritative reference and input builder live on the scoring server;
editing this copy changes nothing except your own understanding.
"""

import jax, jax.numpy as jnp
import numpy as np

VOCAB = 100000
EMBED = 64
BATCH = 1024
CTX = 50

def setup_inputs(seed: int = 0) -> dict:
    key = jax.random.key(seed)
    k1, k2, k3, k4 = jax.random.split(key, 4)
    contexts = jax.random.randint(k1, (BATCH, CTX), 0, VOCAB, dtype=jnp.int64 if jax.config.jax_enable_x64 else jnp.int32).astype(jnp.int32)
    table = jax.random.normal(k2, (VOCAB, EMBED), dtype=jnp.float32)
    # nn.Linear(embed_dim, vocab_size): weight [vocab, embed], bias [vocab]
    W = jax.random.normal(k3, (VOCAB, EMBED), dtype=jnp.float32) * (1.0 / np.sqrt(EMBED))
    b = jax.random.normal(k4, (VOCAB,), dtype=jnp.float32) * 0.01
    return {"contexts": contexts, "table": table, "W": W, "b": b}

def reference(contexts, table, W, b):
    # embedding lookup (gather)
    embs = jnp.take(table, contexts, axis=0)          # [B, CTX, EMBED]
    avg_embs = jnp.mean(embs, axis=1)                 # [B, EMBED]
    logits = avg_embs @ W.T + b                       # [B, VOCAB]
    return logits

if __name__ == "__main__":
    import jax
    _d = setup_inputs()
    print(jax.jit(kernel)(*tuple(_d.values())))

</pallas_src>

<mosaic_0001>
#map = affine_map<(d0, d1) -> (0)>
#map1 = affine_map<(d0, d1) -> (0, 0)>
module attributes {stable_mosaic.version = 14 : i64} {
  func.func @avg_kernel(%arg0: i32, %arg1: i32, %arg2: memref<51200xi32, #tpu.memory_space<hbm>>, %arg3: memref<200000x64xf32, #tpu.memory_space<hbm>>, %arg4: memref<1024x64xf32, #tpu.memory_space<hbm>>, %arg5: memref<1600xi32, #tpu.memory_space<vmem>>, %arg6: memref<400x64xf32, #tpu.memory_space<vmem>>, %arg7: memref<400x64xf32, #tpu.memory_space<vmem>>, %arg8: memref<32x64xf32, #tpu.memory_space<vmem>>, %arg9: memref<!tpu.dma_semaphore, #tpu.memory_space<semaphore_mem>>) attributes {dimension_semantics = [#tpu.dimension_semantics<core_parallel>, #tpu.dimension_semantics<subcore_parallel>], iteration_bounds = array<i64: 2, 16>, scalar_prefetch = 0 : i64, scratch_operands = 5 : i64, tpu.core_type = #tpu.core_type<sc_vector_subcore>, window_params = [{transform_indices = #map}, {transform_indices = #map1}, {transform_indices = #map1}]} {
    %mul3A = arith.constant 2 : i32
    %mul3A_0 = arith.muli %arg1, %mul3A : i32
    %add3A = arith.addi %mul3A_0, %arg0 : i32
    %mul3A_1 = arith.constant 32 : i32
    %mul3A_2 = arith.muli %add3A, %mul3A_1 : i32
    %mul3A_3 = arith.constant 50 : i32
    %mul3A_4 = arith.muli %mul3A_2, %mul3A_3 : i32
    "tpu.region"() ({
      %run_scoped3A = tpu.sem_alloc : memref<!tpu.dma_semaphore, #tpu.memory_space<semaphore_mem>>
      %dma_start3A_292 = tpu.memref_slice %arg2[%mul3A_4] : memref<51200xi32, #tpu.memory_space<hbm>> -> memref<1600xi32, #tpu.memory_space<hbm>>
      %dma_start3A_293 = tpu.memref_slice %arg2[%mul3A_4] : memref<51200xi32, #tpu.memory_space<hbm>> -> memref<1600xi32, #tpu.memory_space<hbm>>
      tpu.enqueue_dma source(%dma_start3A_293 : memref<1600xi32, #tpu.memory_space<hbm>>) target(%arg5 : memref<1600xi32, #tpu.memory_space<vmem>>) target_semaphore(%run_scoped3A : memref<!tpu.dma_semaphore, #tpu.memory_space<semaphore_mem>>)
      %dma_wait3A_294 = tpu.memref_slice %arg2[%mul3A_4] : memref<51200xi32, #tpu.memory_space<hbm>> -> memref<1600xi32, #tpu.memory_space<hbm>>
      %dma_wait3A_295 = tpu.memref_slice %arg2[%mul3A_4] : memref<51200xi32, #tpu.memory_space<hbm>> -> memref<1600xi32, #tpu.memory_space<hbm>>
      tpu.wait_dma2 semaphore(%run_scoped3A : memref<!tpu.dma_semaphore, #tpu.memory_space<semaphore_mem>>) src(%dma_wait3A_295 : memref<1600xi32, #tpu.memory_space<hbm>>) dst(%arg5 : memref<1600xi32, #tpu.memory_space<vmem>>)
      tpu.yield
    }) : () -> ()
    %scan3A = arith.constant 0 : i32
    %scan3A_5 = arith.constant 0 : i32
    %scan3A_6 = arith.constant 100 : i32
    %scan3A_7 = arith.addi %scan3A_5, %scan3A_6 : i32
    %scan3A_8 = arith.constant 1 : i32
    scf.for %scan3A_292 = %scan3A_5 to %scan3A_7 step %scan3A_8  : i32 {
      %mul3A_293 = arith.constant 16 : i32
      %mul3A_294 = arith.muli %scan3A_292, %mul3A_293 : i32
      %get3A = arith.index_cast %mul3A_294 : i32 to index
      %get3A_295 = tpu.vector_load %arg5[%get3A] {strides = array<i32>} : memref<1600xi32, #tpu.memory_space<vmem>>, vector<16xi32>,
      %get3A_296 = vector.shape_cast %get3A_295 : vector<16xi32> to vector<16xi32>
      %mul3A_297 = arith.constant 2 : i32
      %mul3A_298 = vector.broadcast %mul3A_297 : i32 to vector<16xi32>
      %mul3A_299 = arith.muli %get3A_296, %mul3A_298 : vector<16xi32>
      %mul3A_300 = arith.constant 16 : i32
      %mul3A_301 = arith.muli %scan3A_292, %mul3A_300 : i32
      %swap3A = arith.index_cast %mul3A_301 : i32 to index
      %swap3A_302 = tpu.vector_load %arg5[%swap3A] {strides = array<i32>} : memref<1600xi32, #tpu.memory_space<vmem>>, vector<16xi32>,
      %swap3A_303 = vector.shape_cast %swap3A_302 : vector<16xi32> to vector<16xi32>
      %swap3A_304 = vector.shape_cast %mul3A_299 : vector<16xi32> to vector<16xi32>
      tpu.vector_store %arg5[%swap3A], %swap3A_304 {strides = array<i32>} : memref<1600xi32, #tpu.memory_space<vmem>>, vector<16xi32>,
    }
    %scan3A_9 = arith.constant 100 : i32
    %dma_start3A = arith.constant 0 : i32
    %dma_start3A_10 = arith.constant 0 : i32
    %dma_start3A_11 = tpu.memref_slice %arg6[%dma_start3A, %dma_start3A_10] : memref<400x64xf32, #tpu.memory_space<vmem>> -> memref<128x64xf32, #tpu.memory_space<vmem>>
    %dma_start3A_12 = arith.constant 0 : i32
    %dma_start3A_13 = tpu.memref_slice %arg5[%dma_start3A_12] : memref<1600xi32, #tpu.memory_space<vmem>> -> memref<128xi32, #tpu.memory_space<vmem>>
    %dma_start3A_14 = arith.constant 0 : i32
    %dma_start3A_15 = arith.constant 0 : i32
    %dma_start3A_16 = tpu.memref_slice %arg3[%dma_start3A_14, %dma_start3A_15] : memref<200000x64xf32, #tpu.memory_space<hbm>> -> memref<200000x64xf32, #tpu.memory_space<hbm>>
    tpu.enqueue_indirect_dma source(%dma_start3A_16 : memref<200000x64xf32, #tpu.memory_space<hbm>>) target(%dma_start3A_11 : memref<128x64xf32, #tpu.memory_space<vmem>>) offsets(%dma_start3A_13 : memref<128xi32, #tpu.memory_space<vmem>>) semaphore(%arg9 : memref<!tpu.dma_semaphore, #tpu.memory_space<semaphore_mem>>)
    %dma_start3A_17 = arith.constant 128 : i32
    %dma_start3A_18 = arith.constant 0 : i32
    %dma_start3A_19 = tpu.memref_slice %arg6[%dma_start3A_17, %dma_start3A_18] : memref<400x64xf32, #tpu.memory_space<vmem>> -> memref<128x64xf32, #tpu.memory_space<vmem>>
    %dma_start3A_20 = arith.constant 128 : i32
    %dma_start3A_21 = tpu.memref_slice %arg5[%dma_start3A_20] : memref<1600xi32, #tpu.memory_space<vmem>> -> memref<128xi32, #tpu.memory_space<vmem>>
    %dma_start3A_22 = arith.constant 0 : i32
    %dma_start3A_23 = arith.constant 0 : i32
    %dma_start3A_24 = tpu.memref_slice %arg3[%dma_start3A_22, %dma_start3A_23] : memref<200000x64xf32, #tpu.memory_space<hbm>> -> memref<200000x64xf32, #tpu.memory_space<hbm>>
    tpu.enqueue_indirect_dma source(%dma_start3A_24 : memref<200000x64xf32, #tpu.memory_space<hbm>>) target(%dma_start3A_19 : memref<128x64xf32, #tpu.memory_space<vmem>>) offsets(%dma_start3A_21 : memref<128xi32, #tpu.memory_space<vmem>>) semaphore(%arg9 : memref<!tpu.dma_semaphore, #tpu.memory_space<semaphore_mem>>)
    %dma_start3A_25 = arith.constant 256 : i32
    %dma_start3A_26 = arith.constant 0 : i32
    %dma_start3A_27 = tpu.memref_slice %arg6[%dma_start3A_25, %dma_start3A_26] : memref<400x64xf32, #tpu.memory_space<vmem>> -> memref<128x64xf32, #tpu.memory_space<vmem>>
    %dma_start3A_28 = arith.constant 256 : i32
    %dma_start3A_29 = tpu.memref_slice %arg5[%dma_start3A_28] : memref<1600xi32, #tpu.memory_space<vmem>> -> memref<128xi32, #tpu.memory_space<vmem>>
    %dma_start3A_30 = arith.constant 0 : i32
    %dma_start3A_31 = arith.constant 0 : i32
    %dma_start3A_32 = tpu.memref_slice %arg3[%dma_start3A_30, %dma_start3A_31] : memref<200000x64xf32, #tpu.memory_space<hbm>> -> memref<200000x64xf32, #tpu.memory_space<hbm>>
    tpu.enqueue_indirect_dma source(%dma_start3A_32 : memref<200000x64xf32, #tpu.memory_space<hbm>>) target(%dma_start3A_27 : memref<128x64xf32, #tpu.memory_space<vmem>>) offsets(%dma_start3A_29 : memref<128xi32, #tpu.memory_space<vmem>>) semaphore(%arg9 : memref<!tpu.dma_semaphore, #tpu.memory_space<semaphore_mem>>)
    %dma_start3A_33 = arith.constant 384 : i32
    %dma_start3A_34 = arith.constant 0 : i32
    %dma_start3A_35 = tpu.memref_slice %arg6[%dma_start3A_33, %dma_start3A_34] : memref<400x64xf32, #tpu.memory_space<vmem>> -> memref<16x64xf32, #tpu.memory_space<vmem>>
    %dma_start3A_36 = arith.constant 384 : i32
    %dma_start3A_37 = tpu.memref_slice %arg5[%dma_start3A_36] : memref<1600xi32, #tpu.memory_space<vmem>> -> memref<16xi32, #tpu.memory_space<vmem>>
    %dma_start3A_38 = arith.constant 0 : i32
    %dma_start3A_39 = arith.constant 0 : i32
    %dma_start3A_40 = tpu.memref_slice %arg3[%dma_start3A_38, %dma_start3A_39] : memref<200000x64xf32, #tpu.memory_space<hbm>> -> memref<200000x64xf32, #tpu.memory_space<hbm>>
    tpu.enqueue_indirect_dma source(%dma_start3A_40 : memref<200000x64xf32, #tpu.memory_space<hbm>>) target(%dma_start3A_35 : memref<16x64xf32, #tpu.memory_space<vmem>>) offsets(%dma_start3A_37 : memref<16xi32, #tpu.memory_space<vmem>>) semaphore(%arg9 : memref<!tpu.dma_semaphore, #tpu.memory_space<semaphore_mem>>)
    %dma_wait3A = arith.constant 0 : i32
    %dma_wait3A_41 = arith.constant 0 : i32
    %dma_wait3A_42 = tpu.memref_slice %arg6[%dma_wait3A, %dma_wait3A_41] : memref<400x64xf32, #tpu.memory_space<vmem>> -> memref<128x64xf32, #tpu.memory_space<vmem>>
    %dma_wait3A_43 = arith.constant 0 : i32
    %dma_wait3A_44 = tpu.memref_slice %arg5[%dma_wait3A_43] : memref<1600xi32, #tpu.memory_space<vmem>> -> memref<128xi32, #tpu.memory_space<vmem>>
    %dma_wait3A_45 = arith.constant 0 : i32
    %dma_wait3A_46 = arith.constant 0 : i32
    %dma_wait3A_47 = tpu.memref_slice %arg3[%dma_wait3A_45, %dma_wait3A_46] : memref<200000x64xf32, #tpu.memory_space<hbm>> -> memref<200000x64xf32, #tpu.memory_space<hbm>>
    tpu.wait_indirect_dma semaphore(%arg9 : memref<!tpu.dma_semaphore, #tpu.memory_space<semaphore_mem>>) src(%dma_wait3A_47 : memref<200000x64xf32, #tpu.memory_space<hbm>>) dst(%dma_wait3A_42 : memref<128x64xf32, #tpu.memory_space<vmem>>)
    %dma_wait3A_48 = arith.constant 128 : i32
    %dma_wait3A_49 = arith.constant 0 : i32
    %dma_wait3A_50 = tpu.memref_slice %arg6[%dma_wait3A_48, %dma_wait3A_49] : memref<400x64xf32, #tpu.memory_space<vmem>> -> memref<128x64xf32, #tpu.memory_space<vmem>>
    %dma_wait3A_51 = arith.constant 128 : i32
    %dma_wait3A_52 = tpu.memref_slice %arg5[%dma_wait3A_51] : memref<1600xi32, #tpu.memory_space<vmem>> -> memref<128xi32, #tpu.memory_space<vmem>>
    %dma_wait3A_53 = arith.constant 0 : i32
    %dma_wait3A_54 = arith.constant 0 : i32
    %dma_wait3A_55 = tpu.memref_slice %arg3[%dma_wait3A_53, %dma_wait3A_54] : memref<200000x64xf32, #tpu.memory_space<hbm>> -> memref<200000x64xf32, #tpu.memory_space<hbm>>
    tpu.wait_indirect_dma semaphore(%arg9 : memref<!tpu.dma_semaphore, #tpu.memory_space<semaphore_mem>>) src(%dma_wait3A_55 : memref<200000x64xf32, #tpu.memory_space<hbm>>) dst(%dma_wait3A_50 : memref<128x64xf32, #tpu.memory_space<vmem>>)
    %dma_wait3A_56 = arith.constant 256 : i32
    %dma_wait3A_57 = arith.constant 0 : i32
    %dma_wait3A_58 = tpu.memref_slice %arg6[%dma_wait3A_56, %dma_wait3A_57] : memref<400x64xf32, #tpu.memory_space<vmem>> -> memref<128x64xf32, #tpu.memory_space<vmem>>
    %dma_wait3A_59 = arith.constant 256 : i32
    %dma_wait3A_60 = tpu.memref_slice %arg5[%dma_wait3A_59] : memref<1600xi32, #tpu.memory_space<vmem>> -> memref<128xi32, #tpu.memory_space<vmem>>
    %dma_wait3A_61 = arith.constant 0 : i32
    %dma_wait3A_62 = arith.constant 0 : i32
    %dma_wait3A_63 = tpu.memref_slice %arg3[%dma_wait3A_61, %dma_wait3A_62] : memref<200000x64xf32, #tpu.memory_space<hbm>> -> memref<200000x64xf32, #tpu.memory_space<hbm>>
    tpu.wait_indirect_dma semaphore(%arg9 : memref<!tpu.dma_semaphore, #tpu.memory_space<semaphore_mem>>) src(%dma_wait3A_63 : memref<200000x64xf32, #tpu.memory_space<hbm>>) dst(%dma_wait3A_58 : memref<128x64xf32, #tpu.memory_space<vmem>>)
    %dma_wait3A_64 = arith.constant 384 : i32
    %dma_wait3A_65 = arith.constant 0 : i32
    %dma_wait3A_66 = tpu.memref_slice %arg6[%dma_wait3A_64, %dma_wait3A_65] : memref<400x64xf32, #tpu.memory_space<vmem>> -> memref<16x64xf32, #tpu.memory_space<vmem>>
    %dma_wait3A_67 = arith.constant 384 : i32
    %dma_wait3A_68 = tpu.memref_slice %arg5[%dma_wait3A_67] : memref<1600xi32, #tpu.memory_space<vmem>> -> memref<16xi32, #tpu.memory_space<vmem>>
    %dma_wait3A_69 = arith.constant 0 : i32
    %dma_wait3A_70 = arith.constant 0 : i32
    %dma_wait3A_71 = tpu.memref_slice %arg3[%dma_wait3A_69, %dma_wait3A_70] : memref<200000x64xf32, #tpu.memory_space<hbm>> -> memref<200000x64xf32, #tpu.memory_space<hbm>>
    tpu.wait_indirect_dma semaphore(%arg9 : memref<!tpu.dma_semaphore, #tpu.memory_space<semaphore_mem>>) src(%dma_wait3A_71 : memref<200000x64xf32, #tpu.memory_space<hbm>>) dst(%dma_wait3A_66 : memref<16x64xf32, #tpu.memory_space<vmem>>)
    %dma_start3A_72 = arith.constant 0 : i32
    %dma_start3A_73 = arith.constant 0 : i32
    %dma_start3A_74 = tpu.memref_slice %arg7[%dma_start3A_72, %dma_start3A_73] : memref<400x64xf32, #tpu.memory_space<vmem>> -> memref<128x64xf32, #tpu.memory_space<vmem>>
    %dma_start3A_75 = arith.constant 400 : i32
    %dma_start3A_76 = tpu.memref_slice %arg5[%dma_start3A_75] : memref<1600xi32, #tpu.memory_space<vmem>> -> memref<128xi32, #tpu.memory_space<vmem>>
    %dma_start3A_77 = arith.constant 0 : i32
    %dma_start3A_78 = arith.constant 0 : i32
    %dma_start3A_79 = tpu.memref_slice %arg3[%dma_start3A_77, %dma_start3A_78] : memref<200000x64xf32, #tpu.memory_space<hbm>> -> memref<200000x64xf32, #tpu.memory_space<hbm>>
    tpu.enqueue_indirect_dma source(%dma_start3A_79 : memref<200000x64xf32, #tpu.memory_space<hbm>>) target(%dma_start3A_74 : memref<128x64xf32, #tpu.memory_space<vmem>>) offsets(%dma_start3A_76 : memref<128xi32, #tpu.memory_space<vmem>>) semaphore(%arg9 : memref<!tpu.dma_semaphore, #tpu.memory_space<semaphore_mem>>)
    %dma_start3A_80 = arith.constant 128 : i32
    %dma_start3A_81 = arith.constant 0 : i32
    %dma_start3A_82 = tpu.memref_slice %arg7[%dma_start3A_80, %dma_start3A_81] : memref<400x64xf32, #tpu.memory_space<vmem>> -> memref<128x64xf32, #tpu.memory_space<vmem>>
    %dma_start3A_83 = arith.constant 528 : i32
    %dma_start3A_84 = tpu.memref_slice %arg5[%dma_start3A_83] : memref<1600xi32, #tpu.memory_space<vmem>> -> memref<128xi32, #tpu.memory_space<vmem>>
    %dma_start3A_85 = arith.constant 0 : i32
    %dma_start3A_86 = arith.constant 0 : i32
    %dma_start3A_87 = tpu.memref_slice %arg3[%dma_start3A_85, %dma_start3A_86] : memref<200000x64xf32, #tpu.memory_space<hbm>> -> memref<200000x64xf32, #tpu.memory_space<hbm>>
    tpu.enqueue_indirect_dma source(%dma_start3A_87 : memref<200000x64xf32, #tpu.memory_space<hbm>>) target(%dma_start3A_82 : memref<128x64xf32, #tpu.memory_space<vmem>>) offsets(%dma_start3A_84 : memref<128xi32, #tpu.memory_space<vmem>>) semaphore(%arg9 : memref<!tpu.dma_semaphore, #tpu.memory_space<semaphore_mem>>)
    %dma_start3A_88 = arith.constant 256 : i32
    %dma_start3A_89 = arith.constant 0 : i32
    %dma_start3A_90 = tpu.memref_slice %arg7[%dma_start3A_88, %dma_start3A_89] : memref<400x64xf32, #tpu.memory_space<vmem>> -> memref<128x64xf32, #tpu.memory_space<vmem>>
    %dma_start3A_91 = arith.constant 656 : i32
    %dma_start3A_92 = tpu.memref_slice %arg5[%dma_start3A_91] : memref<1600xi32, #tpu.memory_space<vmem>> -> memref<128xi32, #tpu.memory_space<vmem>>
    %dma_start3A_93 = arith.constant 0 : i32
    %dma_start3A_94 = arith.constant 0 : i32
    %dma_start3A_95 = tpu.memref_slice %arg3[%dma_start3A_93, %dma_start3A_94] : memref<200000x64xf32, #tpu.memory_space<hbm>> -> memref<200000x64xf32, #tpu.memory_space<hbm>>
    tpu.enqueue_indirect_dma source(%dma_start3A_95 : memref<200000x64xf32, #tpu.memory_space<hbm>>) target(%dma_start3A_90 : memref<128x64xf32, #tpu.memory_space<vmem>>) offsets(%dma_start3A_92 : memref<128xi32, #tpu.memory_space<vmem>>) semaphore(%arg9 : memref<!tpu.dma_semaphore, #tpu.memory_space<semaphore_mem>>)
    %dma_start3A_96 = arith.constant 384 : i32
    %dma_start3A_97 = arith.constant 0 : i32
    %dma_start3A_98 = tpu.memref_slice %arg7[%dma_start3A_96, %dma_start3A_97] : memref<400x64xf32, #tpu.memory_space<vmem>> -> memref<16x64xf32, #tpu.memory_space<vmem>>
    %dma_start3A_99 = arith.constant 784 : i32
    %dma_start3A_100 = tpu.memref_slice %arg5[%dma_start3A_99] : memref<1600xi32, #tpu.memory_space<vmem>> -> memref<16xi32, #tpu.memory_space<vmem>>
    %dma_start3A_101 = arith.constant 0 : i32
    %dma_start3A_102 = arith.constant 0 : i32
    %dma_start3A_103 = tpu.memref_slice %arg3[%dma_start3A_101, %dma_start3A_102] : memref<200000x64xf32, #tpu.memory_space<hbm>> -> memref<200000x64xf32, #tpu.memory_space<hbm>>
    tpu.enqueue_indirect_dma source(%dma_start3A_103 : memref<200000x64xf32, #tpu.memory_space<hbm>>) target(%dma_start3A_98 : memref<16x64xf32, #tpu.memory_space<vmem>>) offsets(%dma_start3A_100 : memref<16xi32, #tpu.memory_space<vmem>>) semaphore(%arg9 : memref<!tpu.dma_semaphore, #tpu.memory_space<semaphore_mem>>)
    %scan3A_104 = arith.constant 0 : i32
    %scan3A_105 = arith.constant 2.000000e-02 : f32
    %scan3A_106 = arith.constant 0 : i32
    %scan3A_107 = arith.constant 8 : i32
    %scan3A_108 = arith.addi %scan3A_106, %scan3A_107 : i32
    %scan3A_109 = arith.constant 1 : i32
    scf.for %scan3A_292 = %scan3A_106 to %scan3A_108 step %scan3A_109  : i32 {
      %mul3A_293 = arith.constant 50 : i32
      %mul3A_294 = arith.muli %scan3A_292, %mul3A_293 : i32
      %broadcast_in_dim3A = arith.constant 0.000000e+00 : f32
      %broadcast_in_dim3A_295 = vector.broadcast %broadcast_in_dim3A : f32 to vector<16xf32>
      %broadcast_in_dim3A_296 = arith.constant 0.000000e+00 : f32
      %broadcast_in_dim3A_297 = vector.broadcast %broadcast_in_dim3A_296 : f32 to vector<16xf32>
      %broadcast_in_dim3A_298 = arith.constant 0.000000e+00 : f32
      %broadcast_in_dim3A_299 = vector.broadcast %broadcast_in_dim3A_298 : f32 to vector<16xf32>
      %broadcast_in_dim3A_300 = arith.constant 0.000000e+00 : f32
      %broadcast_in_dim3A_301 = vector.broadcast %broadcast_in_dim3A_300 : f32 to vector<16xf32>
      %scan3A_302 = arith.constant 0 : i32
      %scan3A_303 = arith.constant 25 : i32
      %scan3A_304 = arith.addi %scan3A_302, %scan3A_303 : i32
      %scan3A_305 = arith.constant 1 : i32
      %scan3A_306:4 = scf.for %scan3A_343 = %scan3A_302 to %scan3A_304 step %scan3A_305 iter_args(%scan3A_344 = %broadcast_in_dim3A_295, %scan3A_345 = %broadcast_in_dim3A_297, %scan3A_346 = %broadcast_in_dim3A_299, %scan3A_347 = %broadcast_in_dim3A_301) -> (vector<16xf32>, vector<16xf32>, vector<16xf32>, vector<16xf32>)  : i32 {
        %mul3A_348 = arith.constant 2 : i32
        %mul3A_349 = arith.muli %scan3A_343, %mul3A_348 : i32
        %add3A_350 = arith.addi %mul3A_294, %mul3A_349 : i32
        %add3A_351 = arith.constant 0 : i32
        %add3A_352 = arith.addi %add3A_350, %add3A_351 : i32
        %get3A = arith.index_cast %add3A_352 : i32 to index
        %get3A_353 = arith.constant 0 : index
        %get3A_354 = tpu.vector_load %arg6[%get3A, %get3A_353] {strides = array<i32>} : memref<400x64xf32, #tpu.memory_space<vmem>>, vector<1x16xf32>,
        %get3A_355 = vector.shape_cast %get3A_354 : vector<1x16xf32> to vector<16xf32>
        %add3A_356 = arith.addf %scan3A_344, %get3A_355 : vector<16xf32>
        %mul3A_357 = arith.constant 2 : i32
        %mul3A_358 = arith.muli %scan3A_343, %mul3A_357 : i32
        %add3A_359 = arith.addi %mul3A_294, %mul3A_358 : i32
        %add3A_360 = arith.constant 0 : i32
        %add3A_361 = arith.addi %add3A_359, %add3A_360 : i32
        %get3A_362 = arith.index_cast %add3A_361 : i32 to index
        %get3A_363 = arith.constant 16 : index
        %get3A_364 = tpu.vector_load %arg6[%get3A_362, %get3A_363] {strides = array<i32>} : memref<400x64xf32, #tpu.memory_space<vmem>>, vector<1x16xf32>,
        %get3A_365 = vector.shape_cast %get3A_364 : vector<1x16xf32> to vector<16xf32>
        %add3A_366 = arith.addf %scan3A_345, %get3A_365 : vector<16xf32>
        %mul3A_367 = arith.constant 2 : i32
        %mul3A_368 = arith.muli %scan3A_343, %mul3A_367 : i32
        %add3A_369 = arith.addi %mul3A_294, %mul3A_368 : i32
        %add3A_370 = arith.constant 0 : i32
        %add3A_371 = arith.addi %add3A_369, %add3A_370 : i32
        %get3A_372 = arith.index_cast %add3A_371 : i32 to index
        %get3A_373 = arith.constant 32 : index
        %get3A_374 = tpu.vector_load %arg6[%get3A_372, %get3A_373] {strides = array<i32>} : memref<400x64xf32, #tpu.memory_space<vmem>>, vector<1x16xf32>,
        %get3A_375 = vector.shape_cast %get3A_374 : vector<1x16xf32> to vector<16xf32>
        %add3A_376 = arith.addf %scan3A_346, %get3A_375 : vector<16xf32>
        %mul3A_377 = arith.constant 2 : i32
        %mul3A_378 = arith.muli %scan3A_343, %mul3A_377 : i32
        %add3A_379 = arith.addi %mul3A_294, %mul3A_378 : i32
        %add3A_380 = arith.constant 0 : i32
        %add3A_381 = arith.addi %add3A_379, %add3A_380 : i32
        %get3A_382 = arith.index_cast %add3A_381 : i32 to index
        %get3A_383 = arith.constant 48 : index
        %get3A_384 = tpu.vector_load %arg6[%get3A_382, %get3A_383] {strides = array<i32>} : memref<400x64xf32, #tpu.memory_space<vmem>>, vector<1x16xf32>,
        %get3A_385 = vector.shape_cast %get3A_384 : vector<1x16xf32> to vector<16xf32>
        %add3A_386 = arith.addf %scan3A_347, %get3A_385 : vector<16xf32>
        %mul3A_387 = arith.constant 2 : i32
        %mul3A_388 = arith.muli %scan3A_343, %mul3A_387 : i32
        %add3A_389 = arith.addi %mul3A_294, %mul3A_388 : i32
        %add3A_390 = arith.constant 1 : i32
        %add3A_391 = arith.addi %add3A_389, %add3A_390 : i32
        %get3A_392 = arith.index_cast %add3A_391 : i32 to index
        %get3A_393 = arith.constant 0 : index
        %get3A_394 = tpu.vector_load %arg6[%get3A_392, %get3A_393] {strides = array<i32>} : memref<400x64xf32, #tpu.memory_space<vmem>>, vector<1x16xf32>,
        %get3A_395 = vector.shape_cast %get3A_394 : vector<1x16xf32> to vector<16xf32>
        %add3A_396 = arith.addf %add3A_356, %get3A_395 : vector<16xf32>
        %mul3A_397 = arith.constant 2 : i32
        %mul3A_398 = arith.muli %scan3A_343, %mul3A_397 : i32
        %add3A_399 = arith.addi %mul3A_294, %mul3A_398 : i32
        %add3A_400 = arith.constant 1 : i32
        %add3A_401 = arith.addi %add3A_399, %add3A_400 : i32
        %get3A_402 = arith.index_cast %add3A_401 : i32 to index
        %get3A_403 = arith.constant 16 : index
        %get3A_404 = tpu.vector_load %arg6[%get3A_402, %get3A_403] {strides = array<i32>} : memref<400x64xf32, #tpu.memory_space<vmem>>, vector<1x16xf32>,
        %get3A_405 = vector.shape_cast %get3A_404 : vector<1x16xf32> to vector<16xf32>
        %add3A_406 = arith.addf %add3A_366, %get3A_405 : vector<16xf32>
        %mul3A_407 = arith.constant 2 : i32
        %mul3A_408 = arith.muli %scan3A_343, %mul3A_407 : i32
        %add3A_409 = arith.addi %mul3A_294, %mul3A_408 : i32
        %add3A_410 = arith.constant 1 : i32
        %add3A_411 = arith.addi %add3A_409, %add3A_410 : i32
        %get3A_412 = arith.index_cast %add3A_411 : i32 to index
        %get3A_413 = arith.constant 32 : index
        %get3A_414 = tpu.vector_load %arg6[%get3A_412, %get3A_413] {strides = array<i32>} : memref<400x64xf32, #tpu.memory_space<vmem>>, vector<1x16xf32>,
        %get3A_415 = vector.shape_cast %get3A_414 : vector<1x16xf32> to vector<16xf32>
        %add3A_416 = arith.addf %add3A_376, %get3A_415 : vector<16xf32>
        %mul3A_417 = arith.constant 2 : i32
        %mul3A_418 = arith.muli %scan3A_343, %mul3A_417 : i32
        %add3A_419 = arith.addi %mul3A_294, %mul3A_418 : i32
        %add3A_420 = arith.constant 1 : i32
        %add3A_421 = arith.addi %add3A_419, %add3A_420 : i32
        %get3A_422 = arith.index_cast %add3A_421 : i32 to index
        %get3A_423 = arith.constant 48 : index
        %get3A_424 = tpu.vector_load %arg6[%get3A_422, %get3A_423] {strides = array<i32>} : memref<400x64xf32, #tpu.memory_space<vmem>>, vector<1x16xf32>,
        %get3A_425 = vector.shape_cast %get3A_424 : vector<1x16xf32> to vector<16xf32>
        %add3A_426 = arith.addf %add3A_386, %get3A_425 : vector<16xf32>
        scf.yield %add3A_396, %add3A_406, %add3A_416, %add3A_426 : vector<16xf32>, vector<16xf32>, vector<16xf32>, vector<16xf32>
      }
      %scan3A_307 = arith.constant 25 : i32
      %mul3A_308 = vector.broadcast %scan3A_105 : f32 to vector<16xf32>
      %mul3A_309 = arith.mulf %scan3A_306#0, %mul3A_308 : vector<16xf32>
      %add3A_310 = arith.constant 0 : i32
      %add3A_311 = arith.addi %add3A_310, %scan3A_292 : i32
      %swap3A = arith.index_cast %add3A_311 : i32 to index
      %swap3A_312 = arith.constant 0 : index
      %swap3A_313 = tpu.vector_load %arg8[%swap3A, %swap3A_312] {strides = array<i32>} : memref<32x64xf32, #tpu.memory_space<vmem>>, vector<1x16xf32>,
      %swap3A_314 = vector.shape_cast %swap3A_313 : vector<1x16xf32> to vector<16xf32>
      %swap3A_315 = vector.shape_cast %mul3A_309 : vector<16xf32> to vector<1x16xf32>
      tpu.vector_store %arg8[%swap3A, %swap3A_312], %swap3A_315 {strides = array<i32>} : memref<32x64xf32, #tpu.memory_space<vmem>>, vector<1x16xf32>,
      %mul3A_316 = vector.broadcast %scan3A_105 : f32 to vector<16xf32>
      %mul3A_317 = arith.mulf %scan3A_306#1, %mul3A_316 : vector<16xf32>
      %add3A_318 = arith.constant 0 : i32
      %add3A_319 = arith.addi %add3A_318, %scan3A_292 : i32
      %swap3A_320 = arith.index_cast %add3A_319 : i32 to index
      %swap3A_321 = arith.constant 16 : index
      %swap3A_322 = tpu.vector_load %arg8[%swap3A_320, %swap3A_321] {strides = array<i32>} : memref<32x64xf32, #tpu.memory_space<vmem>>, vector<1x16xf32>,
      %swap3A_323 = vector.shape_cast %swap3A_322 : vector<1x16xf32> to vector<16xf32>
      %swap3A_324 = vector.shape_cast %mul3A_317 : vector<16xf32> to vector<1x16xf32>
      tpu.vector_store %arg8[%swap3A_320, %swap3A_321], %swap3A_324 {strides = array<i32>} : memref<32x64xf32, #tpu.memory_space<vmem>>, vector<1x16xf32>,
      %mul3A_325 = vector.broadcast %scan3A_105 : f32 to vector<16xf32>
      %mul3A_326 = arith.mulf %scan3A_306#2, %mul3A_325 : vector<16xf32>
      %add3A_327 = arith.constant 0 : i32
      %add3A_328 = arith.addi %add3A_327, %scan3A_292 : i32
      %swap3A_329 = arith.index_cast %add3A_328 : i32 to index
      %swap3A_330 = arith.constant 32 : index
      %swap3A_331 = tpu.vector_load %arg8[%swap3A_329, %swap3A_330] {strides = array<i32>} : memref<32x64xf32, #tpu.memory_space<vmem>>, vector<1x16xf32>,
      %swap3A_332 = vector.shape_cast %swap3A_331 : vector<1x16xf32> to vector<16xf32>
      %swap3A_333 = vector.shape_cast %mul3A_326 : vector<16xf32> to vector<1x16xf32>
      tpu.vector_store %arg8[%swap3A_329, %swap3A_330], %swap3A_333 {strides = array<i32>} : memref<32x64xf32, #tpu.memory_space<vmem>>, vector<1x16xf32>,
      %mul3A_334 = vector.broadcast %scan3A_105 : f32 to vector<16xf32>
      %mul3A_335 = arith.mulf %scan3A_306#3, %mul3A_334 : vector<16xf32>
      %add3A_336 = arith.constant 0 : i32
      %add3A_337 = arith.addi %add3A_336, %scan3A_292 : i32
      %swap3A_338 = arith.index_cast %add3A_337 : i32 to index
      %swap3A_339 = arith.constant 48 : index
      %swap3A_340 = tpu.vector_load %arg8[%swap3A_338, %swap3A_339] {strides = array<i32>} : memref<32x64xf32, #tpu.memory_space<vmem>>, vector<1x16xf32>,
      %swap3A_341 = vector.shape_cast %swap3A_340 : vector<1x16xf32> to vector<16xf32>
      %swap3A_342 = vector.shape_cast %mul3A_335 : vector<16xf32> to vector<1x16xf32>
      tpu.vector_store %arg8[%swap3A_338, %swap3A_339], %swap3A_342 {strides = array<i32>} : memref<32x64xf32, #tpu.memory_space<vmem>>, vector<1x16xf32>,
    }
    %scan3A_110 = arith.constant 8 : i32
    %dma_wait3A_111 = arith.constant 0 : i32
    %dma_wait3A_112 = arith.constant 0 : i32
    %dma_wait3A_113 = tpu.memref_slice %arg7[%dma_wait3A_111, %dma_wait3A_112] : memref<400x64xf32, #tpu.memory_space<vmem>> -> memref<128x64xf32, #tpu.memory_space<vmem>>
    %dma_wait3A_114 = arith.constant 400 : i32
    %dma_wait3A_115 = tpu.memref_slice %arg5[%dma_wait3A_114] : memref<1600xi32, #tpu.memory_space<vmem>> -> memref<128xi32, #tpu.memory_space<vmem>>
    %dma_wait3A_116 = arith.constant 0 : i32
    %dma_wait3A_117 = arith.constant 0 : i32
    %dma_wait3A_118 = tpu.memref_slice %arg3[%dma_wait3A_116, %dma_wait3A_117] : memref<200000x64xf32, #tpu.memory_space<hbm>> -> memref<200000x64xf32, #tpu.memory_space<hbm>>
    tpu.wait_indirect_dma semaphore(%arg9 : memref<!tpu.dma_semaphore, #tpu.memory_space<semaphore_mem>>) src(%dma_wait3A_118 : memref<200000x64xf32, #tpu.memory_space<hbm>>) dst(%dma_wait3A_113 : memref<128x64xf32, #tpu.memory_space<vmem>>)
    %dma_wait3A_119 = arith.constant 128 : i32
    %dma_wait3A_120 = arith.constant 0 : i32
    %dma_wait3A_121 = tpu.memref_slice %arg7[%dma_wait3A_119, %dma_wait3A_120] : memref<400x64xf32, #tpu.memory_space<vmem>> -> memref<128x64xf32, #tpu.memory_space<vmem>>
    %dma_wait3A_122 = arith.constant 528 : i32
    %dma_wait3A_123 = tpu.memref_slice %arg5[%dma_wait3A_122] : memref<1600xi32, #tpu.memory_space<vmem>> -> memref<128xi32, #tpu.memory_space<vmem>>
    %dma_wait3A_124 = arith.constant 0 : i32
    %dma_wait3A_125 = arith.constant 0 : i32
    %dma_wait3A_126 = tpu.memref_slice %arg3[%dma_wait3A_124, %dma_wait3A_125] : memref<200000x64xf32, #tpu.memory_space<hbm>> -> memref<200000x64xf32, #tpu.memory_space<hbm>>
    tpu.wait_indirect_dma semaphore(%arg9 : memref<!tpu.dma_semaphore, #tpu.memory_space<semaphore_mem>>) src(%dma_wait3A_126 : memref<200000x64xf32, #tpu.memory_space<hbm>>) dst(%dma_wait3A_121 : memref<128x64xf32, #tpu.memory_space<vmem>>)
    %dma_wait3A_127 = arith.constant 256 : i32
    %dma_wait3A_128 = arith.constant 0 : i32
    %dma_wait3A_129 = tpu.memref_slice %arg7[%dma_wait3A_127, %dma_wait3A_128] : memref<400x64xf32, #tpu.memory_space<vmem>> -> memref<128x64xf32, #tpu.memory_space<vmem>>
    %dma_wait3A_130 = arith.constant 656 : i32
    %dma_wait3A_131 = tpu.memref_slice %arg5[%dma_wait3A_130] : memref<1600xi32, #tpu.memory_space<vmem>> -> memref<128xi32, #tpu.memory_space<vmem>>
    %dma_wait3A_132 = arith.constant 0 : i32
    %dma_wait3A_133 = arith.constant 0 : i32
    %dma_wait3A_134 = tpu.memref_slice %arg3[%dma_wait3A_132, %dma_wait3A_133] : memref<200000x64xf32, #tpu.memory_space<hbm>> -> memref<200000x64xf32, #tpu.memory_space<hbm>>
    tpu.wait_indirect_dma semaphore(%arg9 : memref<!tpu.dma_semaphore, #tpu.memory_space<semaphore_mem>>) src(%dma_wait3A_134 : memref<200000x64xf32, #tpu.memory_space<hbm>>) dst(%dma_wait3A_129 : memref<128x64xf32, #tpu.memory_space<vmem>>)
    %dma_wait3A_135 = arith.constant 384 : i32
    %dma_wait3A_136 = arith.constant 0 : i32
    %dma_wait3A_137 = tpu.memref_slice %arg7[%dma_wait3A_135, %dma_wait3A_136] : memref<400x64xf32, #tpu.memory_space<vmem>> -> memref<16x64xf32, #tpu.memory_space<vmem>>
    %dma_wait3A_138 = arith.constant 784 : i32
    %dma_wait3A_139 = tpu.memref_slice %arg5[%dma_wait3A_138] : memref<1600xi32, #tpu.memory_space<vmem>> -> memref<16xi32, #tpu.memory_space<vmem>>
    %dma_wait3A_140 = arith.constant 0 : i32
    %dma_wait3A_141 = arith.constant 0 : i32
    %dma_wait3A_142 = tpu.memref_slice %arg3[%dma_wait3A_140, %dma_wait3A_141] : memref<200000x64xf32, #tpu.memory_space<hbm>> -> memref<200000x64xf32, #tpu.memory_space<hbm>>
    tpu.wait_indirect_dma semaphore(%arg9 : memref<!tpu.dma_semaphore, #tpu.memory_space<semaphore_mem>>) src(%dma_wait3A_142 : memref<200000x64xf32, #tpu.memory_space<hbm>>) dst(%dma_wait3A_137 : memref<16x64xf32, #tpu.memory_space<vmem>>)
    %dma_start3A_143 = arith.constant 0 : i32
    %dma_start3A_144 = arith.constant 0 : i32
    %dma_start3A_145 = tpu.memref_slice %arg6[%dma_start3A_143, %dma_start3A_144] : memref<400x64xf32, #tpu.memory_space<vmem>> -> memref<128x64xf32, #tpu.memory_space<vmem>>
    %dma_start3A_146 = arith.constant 800 : i32
    %dma_start3A_147 = tpu.memref_slice %arg5[%dma_start3A_146] : memref<1600xi32, #tpu.memory_space<vmem>> -> memref<128xi32, #tpu.memory_space<vmem>>
    %dma_start3A_148 = arith.constant 0 : i32
    %dma_start3A_149 = arith.constant 0 : i32
    %dma_start3A_150 = tpu.memref_slice %arg3[%dma_start3A_148, %dma_start3A_149] : memref<200000x64xf32, #tpu.memory_space<hbm>> -> memref<200000x64xf32, #tpu.memory_space<hbm>>
    tpu.enqueue_indirect_dma source(%dma_start3A_150 : memref<200000x64xf32, #tpu.memory_space<hbm>>) target(%dma_start3A_145 : memref<128x64xf32, #tpu.memory_space<vmem>>) offsets(%dma_start3A_147 : memref<128xi32, #tpu.memory_space<vmem>>) semaphore(%arg9 : memref<!tpu.dma_semaphore, #tpu.memory_space<semaphore_mem>>)
    %dma_start3A_151 = arith.constant 128 : i32
    %dma_start3A_152 = arith.constant 0 : i32
    %dma_start3A_153 = tpu.memref_slice %arg6[%dma_start3A_151, %dma_start3A_152] : memref<400x64xf32, #tpu.memory_space<vmem>> -> memref<128x64xf32, #tpu.memory_space<vmem>>
    %dma_start3A_154 = arith.constant 928 : i32
    %dma_start3A_155 = tpu.memref_slice %arg5[%dma_start3A_154] : memref<1600xi32, #tpu.memory_space<vmem>> -> memref<128xi32, #tpu.memory_space<vmem>>
    %dma_start3A_156 = arith.constant 0 : i32
    %dma_start3A_157 = arith.constant 0 : i32
    %dma_start3A_158 = tpu.memref_slice %arg3[%dma_start3A_156, %dma_start3A_157] : memref<200000x64xf32, #tpu.memory_space<hbm>> -> memref<200000x64xf32, #tpu.memory_space<hbm>>
    tpu.enqueue_indirect_dma source(%dma_start3A_158 : memref<200000x64xf32, #tpu.memory_space<hbm>>) target(%dma_start3A_153 : memref<128x64xf32, #tpu.memory_space<vmem>>) offsets(%dma_start3A_155 : memref<128xi32, #tpu.memory_space<vmem>>) semaphore(%arg9 : memref<!tpu.dma_semaphore, #tpu.memory_space<semaphore_mem>>)
    %dma_start3A_159 = arith.constant 256 : i32
    %dma_start3A_160 = arith.constant 0 : i32
    %dma_start3A_161 = tpu.memref_slice %arg6[%dma_start3A_159, %dma_start3A_160] : memref<400x64xf32, #tpu.memory_space<vmem>> -> memref<128x64xf32, #tpu.memory_space<vmem>>
    %dma_start3A_162 = arith.constant 1056 : i32
    %dma_start3A_163 = tpu.memref_slice %arg5[%dma_start3A_162] : memref<1600xi32, #tpu.memory_space<vmem>> -> memref<128xi32, #tpu.memory_space<vmem>>
    %dma_start3A_164 = arith.constant 0 : i32
    %dma_start3A_165 = arith.constant 0 : i32
    %dma_start3A_166 = tpu.memref_slice %arg3[%dma_start3A_164, %dma_start3A_165] : memref<200000x64xf32, #tpu.memory_space<hbm>> -> memref<200000x64xf32, #tpu.memory_space<hbm>>
    tpu.enqueue_indirect_dma source(%dma_start3A_166 : memref<200000x64xf32, #tpu.memory_space<hbm>>) target(%dma_start3A_161 : memref<128x64xf32, #tpu.memory_space<vmem>>) offsets(%dma_start3A_163 : memref<128xi32, #tpu.memory_space<vmem>>) semaphore(%arg9 : memref<!tpu.dma_semaphore, #tpu.memory_space<semaphore_mem>>)
    %dma_start3A_167 = arith.constant 384 : i32
    %dma_start3A_168 = arith.constant 0 : i32
    %dma_start3A_169 = tpu.memref_slice %arg6[%dma_start3A_167, %dma_start3A_168] : memref<400x64xf32, #tpu.memory_space<vmem>> -> memref<16x64xf32, #tpu.memory_space<vmem>>
    %dma_start3A_170 = arith.constant 1184 : i32
    %dma_start3A_171 = tpu.memref_slice %arg5[%dma_start3A_170] : memref<1600xi32, #tpu.memory_space<vmem>> -> memref<16xi32, #tpu.memory_space<vmem>>
    %dma_start3A_172 = arith.constant 0 : i32
    %dma_start3A_173 = arith.constant 0 : i32
    %dma_start3A_174 = tpu.memref_slice %arg3[%dma_start3A_172, %dma_start3A_173] : memref<200000x64xf32, #tpu.memory_space<hbm>> -> memref<200000x64xf32, #tpu.memory_space<hbm>>
    tpu.enqueue_indirect_dma source(%dma_start3A_174 : memref<200000x64xf32, #tpu.memory_space<hbm>>) target(%dma_start3A_169 : memref<16x64xf32, #tpu.memory_space<vmem>>) offsets(%dma_start3A_171 : memref<16xi32, #tpu.memory_space<vmem>>) semaphore(%arg9 : memref<!tpu.dma_semaphore, #tpu.memory_space<semaphore_mem>>)
    %scan3A_175 = arith.constant 0 : i32
    %scan3A_176 = arith.constant 2.000000e-02 : f32
    %scan3A_177 = arith.constant 0 : i32
    %scan3A_178 = arith.constant 8 : i32
    %scan3A_179 = arith.addi %scan3A_177, %scan3A_178 : i32
    %scan3A_180 = arith.constant 1 : i32
    scf.for %scan3A_292 = %scan3A_177 to %scan3A_179 step %scan3A_180  : i32 {
      %mul3A_293 = arith.constant 50 : i32
      %mul3A_294 = arith.muli %scan3A_292, %mul3A_293 : i32
      %broadcast_in_dim3A = arith.constant 0.000000e+00 : f32
      %broadcast_in_dim3A_295 = vector.broadcast %broadcast_in_dim3A : f32 to vector<16xf32>
      %broadcast_in_dim3A_296 = arith.constant 0.000000e+00 : f32
      %broadcast_in_dim3A_297 = vector.broadcast %broadcast_in_dim3A_296 : f32 to vector<16xf32>
      %broadcast_in_dim3A_298 = arith.constant 0.000000e+00 : f32
      %broadcast_in_dim3A_299 = vector.broadcast %broadcast_in_dim3A_298 : f32 to vector<16xf32>
      %broadcast_in_dim3A_300 = arith.constant 0.000000e+00 : f32
      %broadcast_in_dim3A_301 = vector.broadcast %broadcast_in_dim3A_300 : f32 to vector<16xf32>
      %scan3A_302 = arith.constant 0 : i32
      %scan3A_303 = arith.constant 25 : i32
      %scan3A_304 = arith.addi %scan3A_302, %scan3A_303 : i32
      %scan3A_305 = arith.constant 1 : i32
      %scan3A_306:4 = scf.for %scan3A_343 = %scan3A_302 to %scan3A_304 step %scan3A_305 iter_args(%scan3A_344 = %broadcast_in_dim3A_295, %scan3A_345 = %broadcast_in_dim3A_297, %scan3A_346 = %broadcast_in_dim3A_299, %scan3A_347 = %broadcast_in_dim3A_301) -> (vector<16xf32>, vector<16xf32>, vector<16xf32>, vector<16xf32>)  : i32 {
        %mul3A_348 = arith.constant 2 : i32
        %mul3A_349 = arith.muli %scan3A_343, %mul3A_348 : i32
        %add3A_350 = arith.addi %mul3A_294, %mul3A_349 : i32
        %add3A_351 = arith.constant 0 : i32
        %add3A_352 = arith.addi %add3A_350, %add3A_351 : i32
        %get3A = arith.index_cast %add3A_352 : i32 to index
        %get3A_353 = arith.constant 0 : index
        %get3A_354 = tpu.vector_load %arg7[%get3A, %get3A_353] {strides = array<i32>} : memref<400x64xf32, #tpu.memory_space<vmem>>, vector<1x16xf32>,
        %get3A_355 = vector.shape_cast %get3A_354 : vector<1x16xf32> to vector<16xf32>
        %add3A_356 = arith.addf %scan3A_344, %get3A_355 : vector<16xf32>
        %mul3A_357 = arith.constant 2 : i32
        %mul3A_358 = arith.muli %scan3A_343, %mul3A_357 : i32
        %add3A_359 = arith.addi %mul3A_294, %mul3A_358 : i32
        %add3A_360 = arith.constant 0 : i32
        %add3A_361 = arith.addi %add3A_359, %add3A_360 : i32
        %get3A_362 = arith.index_cast %add3A_361 : i32 to index
        %get3A_363 = arith.constant 16 : index
        %get3A_364 = tpu.vector_load %arg7[%get3A_362, %get3A_363] {strides = array<i32>} : memref<400x64xf32, #tpu.memory_space<vmem>>, vector<1x16xf32>,
        %get3A_365 = vector.shape_cast %get3A_364 : vector<1x16xf32> to vector<16xf32>
        %add3A_366 = arith.addf %scan3A_345, %get3A_365 : vector<16xf32>
        %mul3A_367 = arith.constant 2 : i32
        %mul3A_368 = arith.muli %scan3A_343, %mul3A_367 : i32
        %add3A_369 = arith.addi %mul3A_294, %mul3A_368 : i32
        %add3A_370 = arith.constant 0 : i32
        %add3A_371 = arith.addi %add3A_369, %add3A_370 : i32
        %get3A_372 = arith.index_cast %add3A_371 : i32 to index
        %get3A_373 = arith.constant 32 : index
        %get3A_374 = tpu.vector_load %arg7[%get3A_372, %get3A_373] {strides = array<i32>} : memref<400x64xf32, #tpu.memory_space<vmem>>, vector<1x16xf32>,
        %get3A_375 = vector.shape_cast %get3A_374 : vector<1x16xf32> to vector<16xf32>
        %add3A_376 = arith.addf %scan3A_346, %get3A_375 : vector<16xf32>
        %mul3A_377 = arith.constant 2 : i32
        %mul3A_378 = arith.muli %scan3A_343, %mul3A_377 : i32
        %add3A_379 = arith.addi %mul3A_294, %mul3A_378 : i32
        %add3A_380 = arith.constant 0 : i32
        %add3A_381 = arith.addi %add3A_379, %add3A_380 : i32
        %get3A_382 = arith.index_cast %add3A_381 : i32 to index
        %get3A_383 = arith.constant 48 : index
        %get3A_384 = tpu.vector_load %arg7[%get3A_382, %get3A_383] {strides = array<i32>} : memref<400x64xf32, #tpu.memory_space<vmem>>, vector<1x16xf32>,
        %get3A_385 = vector.shape_cast %get3A_384 : vector<1x16xf32> to vector<16xf32>
        %add3A_386 = arith.addf %scan3A_347, %get3A_385 : vector<16xf32>
        %mul3A_387 = arith.constant 2 : i32
        %mul3A_388 = arith.muli %scan3A_343, %mul3A_387 : i32
        %add3A_389 = arith.addi %mul3A_294, %mul3A_388 : i32
        %add3A_390 = arith.constant 1 : i32
        %add3A_391 = arith.addi %add3A_389, %add3A_390 : i32
        %get3A_392 = arith.index_cast %add3A_391 : i32 to index
        %get3A_393 = arith.constant 0 : index
        %get3A_394 = tpu.vector_load %arg7[%get3A_392, %get3A_393] {strides = array<i32>} : memref<400x64xf32, #tpu.memory_space<vmem>>, vector<1x16xf32>,
        %get3A_395 = vector.shape_cast %get3A_394 : vector<1x16xf32> to vector<16xf32>
        %add3A_396 = arith.addf %add3A_356, %get3A_395 : vector<16xf32>
        %mul3A_397 = arith.constant 2 : i32
        %mul3A_398 = arith.muli %scan3A_343, %mul3A_397 : i32
        %add3A_399 = arith.addi %mul3A_294, %mul3A_398 : i32
        %add3A_400 = arith.constant 1 : i32
        %add3A_401 = arith.addi %add3A_399, %add3A_400 : i32
        %get3A_402 = arith.index_cast %add3A_401 : i32 to index
        %get3A_403 = arith.constant 16 : index
        %get3A_404 = tpu.vector_load %arg7[%get3A_402, %get3A_403] {strides = array<i32>} : memref<400x64xf32, #tpu.memory_space<vmem>>, vector<1x16xf32>,
        %get3A_405 = vector.shape_cast %get3A_404 : vector<1x16xf32> to vector<16xf32>
        %add3A_406 = arith.addf %add3A_366, %get3A_405 : vector<16xf32>
        %mul3A_407 = arith.constant 2 : i32
        %mul3A_408 = arith.muli %scan3A_343, %mul3A_407 : i32
        %add3A_409 = arith.addi %mul3A_294, %mul3A_408 : i32
        %add3A_410 = arith.constant 1 : i32
        %add3A_411 = arith.addi %add3A_409, %add3A_410 : i32
        %get3A_412 = arith.index_cast %add3A_411 : i32 to index
        %get3A_413 = arith.constant 32 : index
        %get3A_414 = tpu.vector_load %arg7[%get3A_412, %get3A_413] {strides = array<i32>} : memref<400x64xf32, #tpu.memory_space<vmem>>, vector<1x16xf32>,
        %get3A_415 = vector.shape_cast %get3A_414 : vector<1x16xf32> to vector<16xf32>
        %add3A_416 = arith.addf %add3A_376, %get3A_415 : vector<16xf32>
        %mul3A_417 = arith.constant 2 : i32
        %mul3A_418 = arith.muli %scan3A_343, %mul3A_417 : i32
        %add3A_419 = arith.addi %mul3A_294, %mul3A_418 : i32
        %add3A_420 = arith.constant 1 : i32
        %add3A_421 = arith.addi %add3A_419, %add3A_420 : i32
        %get3A_422 = arith.index_cast %add3A_421 : i32 to index
        %get3A_423 = arith.constant 48 : index
        %get3A_424 = tpu.vector_load %arg7[%get3A_422, %get3A_423] {strides = array<i32>} : memref<400x64xf32, #tpu.memory_space<vmem>>, vector<1x16xf32>,
        %get3A_425 = vector.shape_cast %get3A_424 : vector<1x16xf32> to vector<16xf32>
        %add3A_426 = arith.addf %add3A_386, %get3A_425 : vector<16xf32>
        scf.yield %add3A_396, %add3A_406, %add3A_416, %add3A_426 : vector<16xf32>, vector<16xf32>, vector<16xf32>, vector<16xf32>
      }
      %scan3A_307 = arith.constant 25 : i32
      %mul3A_308 = vector.broadcast %scan3A_176 : f32 to vector<16xf32>
      %mul3A_309 = arith.mulf %scan3A_306#0, %mul3A_308 : vector<16xf32>
      %add3A_310 = arith.constant 8 : i32
      %add3A_311 = arith.addi %add3A_310, %scan3A_292 : i32
      %swap3A = arith.index_cast %add3A_311 : i32 to index
      %swap3A_312 = arith.constant 0 : index
      %swap3A_313 = tpu.vector_load %arg8[%swap3A, %swap3A_312] {strides = array<i32>} : memref<32x64xf32, #tpu.memory_space<vmem>>, vector<1x16xf32>,
      %swap3A_314 = vector.shape_cast %swap3A_313 : vector<1x16xf32> to vector<16xf32>
      %swap3A_315 = vector.shape_cast %mul3A_309 : vector<16xf32> to vector<1x16xf32>
      tpu.vector_store %arg8[%swap3A, %swap3A_312], %swap3A_315 {strides = array<i32>} : memref<32x64xf32, #tpu.memory_space<vmem>>, vector<1x16xf32>,
      %mul3A_316 = vector.broadcast %scan3A_176 : f32 to vector<16xf32>
      %mul3A_317 = arith.mulf %scan3A_306#1, %mul3A_316 : vector<16xf32>
      %add3A_318 = arith.constant 8 : i32
      %add3A_319 = arith.addi %add3A_318, %scan3A_292 : i32
      %swap3A_320 = arith.index_cast %add3A_319 : i32 to index
      %swap3A_321 = arith.constant 16 : index
      %swap3A_322 = tpu.vector_load %arg8[%swap3A_320, %swap3A_321] {strides = array<i32>} : memref<32x64xf32, #tpu.memory_space<vmem>>, vector<1x16xf32>,
      %swap3A_323 = vector.shape_cast %swap3A_322 : vector<1x16xf32> to vector<16xf32>
      %swap3A_324 = vector.shape_cast %mul3A_317 : vector<16xf32> to vector<1x16xf32>
      tpu.vector_store %arg8[%swap3A_320, %swap3A_321], %swap3A_324 {strides = array<i32>} : memref<32x64xf32, #tpu.memory_space<vmem>>, vector<1x16xf32>,
      %mul3A_325 = vector.broadcast %scan3A_176 : f32 to vector<16xf32>
      %mul3A_326 = arith.mulf %scan3A_306#2, %mul3A_325 : vector<16xf32>
      %add3A_327 = arith.constant 8 : i32
      %add3A_328 = arith.addi %add3A_327, %scan3A_292 : i32
      %swap3A_329 = arith.index_cast %add3A_328 : i32 to index
      %swap3A_330 = arith.constant 32 : index
      %swap3A_331 = tpu.vector_load %arg8[%swap3A_329, %swap3A_330] {strides = array<i32>} : memref<32x64xf32, #tpu.memory_space<vmem>>, vector<1x16xf32>,
      %swap3A_332 = vector.shape_cast %swap3A_331 : vector<1x16xf32> to vector<16xf32>
      %swap3A_333 = vector.shape_cast %mul3A_326 : vector<16xf32> to vector<1x16xf32>
      tpu.vector_store %arg8[%swap3A_329, %swap3A_330], %swap3A_333 {strides = array<i32>} : memref<32x64xf32, #tpu.memory_space<vmem>>, vector<1x16xf32>,
      %mul3A_334 = vector.broadcast %scan3A_176 : f32 to vector<16xf32>
      %mul3A_335 = arith.mulf %scan3A_306#3, %mul3A_334 : vector<16xf32>
      %add3A_336 = arith.constant 8 : i32
      %add3A_337 = arith.addi %add3A_336, %scan3A_292 : i32
      %swap3A_338 = arith.index_cast %add3A_337 : i32 to index
      %swap3A_339 = arith.constant 48 : index
      %swap3A_340 = tpu.vector_load %arg8[%swap3A_338, %swap3A_339] {strides = array<i32>} : memref<32x64xf32, #tpu.memory_space<vmem>>, vector<1x16xf32>,
      %swap3A_341 = vector.shape_cast %swap3A_340 : vector<1x16xf32> to vector<16xf32>
      %swap3A_342 = vector.shape_cast %mul3A_335 : vector<16xf32> to vector<1x16xf32>
      tpu.vector_store %arg8[%swap3A_338, %swap3A_339], %swap3A_342 {strides = array<i32>} : memref<32x64xf32, #tpu.memory_space<vmem>>, vector<1x16xf32>,
    }
    %scan3A_181 = arith.constant 8 : i32
    %dma_wait3A_182 = arith.constant 0 : i32
    %dma_wait3A_183 = arith.constant 0 : i32
    %dma_wait3A_184 = tpu.memref_slice %arg6[%dma_wait3A_182, %dma_wait3A_183] : memref<400x64xf32, #tpu.memory_space<vmem>> -> memref<128x64xf32, #tpu.memory_space<vmem>>
    %dma_wait3A_185 = arith.constant 800 : i32
    %dma_wait3A_186 = tpu.memref_slice %arg5[%dma_wait3A_185] : memref<1600xi32, #tpu.memory_space<vmem>> -> memref<128xi32, #tpu.memory_space<vmem>>
    %dma_wait3A_187 = arith.constant 0 : i32
    %dma_wait3A_188 = arith.constant 0 : i32
    %dma_wait3A_189 = tpu.memref_slice %arg3[%dma_wait3A_187, %dma_wait3A_188] : memref<200000x64xf32, #tpu.memory_space<hbm>> -> memref<200000x64xf32, #tpu.memory_space<hbm>>
    tpu.wait_indirect_dma semaphore(%arg9 : memref<!tpu.dma_semaphore, #tpu.memory_space<semaphore_mem>>) src(%dma_wait3A_189 : memref<200000x64xf32, #tpu.memory_space<hbm>>) dst(%dma_wait3A_184 : memref<128x64xf32, #tpu.memory_space<vmem>>)
    %dma_wait3A_190 = arith.constant 128 : i32
    %dma_wait3A_191 = arith.constant 0 : i32
    %dma_wait3A_192 = tpu.memref_slice %arg6[%dma_wait3A_190, %dma_wait3A_191] : memref<400x64xf32, #tpu.memory_space<vmem>> -> memref<128x64xf32, #tpu.memory_space<vmem>>
    %dma_wait3A_193 = arith.constant 928 : i32
    %dma_wait3A_194 = tpu.memref_slice %arg5[%dma_wait3A_193] : memref<1600xi32, #tpu.memory_space<vmem>> -> memref<128xi32, #tpu.memory_space<vmem>>
    %dma_wait3A_195 = arith.constant 0 : i32
    %dma_wait3A_196 = arith.constant 0 : i32
    %dma_wait3A_197 = tpu.memref_slice %arg3[%dma_wait3A_195, %dma_wait3A_196] : memref<200000x64xf32, #tpu.memory_space<hbm>> -> memref<200000x64xf32, #tpu.memory_space<hbm>>
    tpu.wait_indirect_dma semaphore(%arg9 : memref<!tpu.dma_semaphore, #tpu.memory_space<semaphore_mem>>) src(%dma_wait3A_197 : memref<200000x64xf32, #tpu.memory_space<hbm>>) dst(%dma_wait3A_192 : memref<128x64xf32, #tpu.memory_space<vmem>>)
    %dma_wait3A_198 = arith.constant 256 : i32
    %dma_wait3A_199 = arith.constant 0 : i32
    %dma_wait3A_200 = tpu.memref_slice %arg6[%dma_wait3A_198, %dma_wait3A_199] : memref<400x64xf32, #tpu.memory_space<vmem>> -> memref<128x64xf32, #tpu.memory_space<vmem>>
    %dma_wait3A_201 = arith.constant 1056 : i32
    %dma_wait3A_202 = tpu.memref_slice %arg5[%dma_wait3A_201] : memref<1600xi32, #tpu.memory_space<vmem>> -> memref<128xi32, #tpu.memory_space<vmem>>
    %dma_wait3A_203 = arith.constant 0 : i32
    %dma_wait3A_204 = arith.constant 0 : i32
    %dma_wait3A_205 = tpu.memref_slice %arg3[%dma_wait3A_203, %dma_wait3A_204] : memref<200000x64xf32, #tpu.memory_space<hbm>> -> memref<200000x64xf32, #tpu.memory_space<hbm>>
    tpu.wait_indirect_dma semaphore(%arg9 : memref<!tpu.dma_semaphore, #tpu.memory_space<semaphore_mem>>) src(%dma_wait3A_205 : memref<200000x64xf32, #tpu.memory_space<hbm>>) dst(%dma_wait3A_200 : memref<128x64xf32, #tpu.memory_space<vmem>>)
    %dma_wait3A_206 = arith.constant 384 : i32
    %dma_wait3A_207 = arith.constant 0 : i32
    %dma_wait3A_208 = tpu.memref_slice %arg6[%dma_wait3A_206, %dma_wait3A_207] : memref<400x64xf32, #tpu.memory_space<vmem>> -> memref<16x64xf32, #tpu.memory_space<vmem>>
    %dma_wait3A_209 = arith.constant 1184 : i32
    %dma_wait3A_210 = tpu.memref_slice %arg5[%dma_wait3A_209] : memref<1600xi32, #tpu.memory_space<vmem>> -> memref<16xi32, #tpu.memory_space<vmem>>
    %dma_wait3A_211 = arith.constant 0 : i32
    %dma_wait3A_212 = arith.constant 0 : i32
    %dma_wait3A_213 = tpu.memref_slice %arg3[%dma_wait3A_211, %dma_wait3A_212] : memref<200000x64xf32, #tpu.memory_space<hbm>> -> memref<200000x64xf32, #tpu.memory_space<hbm>>
    tpu.wait_indirect_dma semaphore(%arg9 : memref<!tpu.dma_semaphore, #tpu.memory_space<semaphore_mem>>) src(%dma_wait3A_213 : memref<200000x64xf32, #tpu.memory_space<hbm>>) dst(%dma_wait3A_208 : memref<16x64xf32, #tpu.memory_space<vmem>>)
    %dma_start3A_214 = arith.constant 0 : i32
    %dma_start3A_215 = arith.constant 0 : i32
    %dma_start3A_216 = tpu.memref_slice %arg7[%dma_start3A_214, %dma_start3A_215] : memref<400x64xf32, #tpu.memory_space<vmem>> -> memref<128x64xf32, #tpu.memory_space<vmem>>
    %dma_start3A_217 = arith.constant 1200 : i32
    %dma_start3A_218 = tpu.memref_slice %arg5[%dma_start3A_217] : memref<1600xi32, #tpu.memory_space<vmem>> -> memref<128xi32, #tpu.memory_space<vmem>>
    %dma_start3A_219 = arith.constant 0 : i32
    %dma_start3A_220 = arith.constant 0 : i32
    %dma_start3A_221 = tpu.memref_slice %arg3[%dma_start3A_219, %dma_start3A_220] : memref<200000x64xf32, #tpu.memory_space<hbm>> -> memref<200000x64xf32, #tpu.memory_space<hbm>>
    tpu.enqueue_indirect_dma source(%dma_start3A_221 : memref<200000x64xf32, #tpu.memory_space<hbm>>) target(%dma_start3A_216 : memref<128x64xf32, #tpu.memory_space<vmem>>) offsets(%dma_start3A_218 : memref<128xi32, #tpu.memory_space<vmem>>) semaphore(%arg9 : memref<!tpu.dma_semaphore, #tpu.memory_space<semaphore_mem>>)
    %dma_start3A_222 = arith.constant 128 : i32
    %dma_start3A_223 = arith.constant 0 : i32
    %dma_start3A_224 = tpu.memref_slice %arg7[%dma_start3A_222, %dma_start3A_223] : memref<400x64xf32, #tpu.memory_space<vmem>> -> memref<128x64xf32, #tpu.memory_space<vmem>>
    %dma_start3A_225 = arith.constant 1328 : i32
    %dma_start3A_226 = tpu.memref_slice %arg5[%dma_start3A_225] : memref<1600xi32, #tpu.memory_space<vmem>> -> memref<128xi32, #tpu.memory_space<vmem>>
    %dma_start3A_227 = arith.constant 0 : i32
    %dma_start3A_228 = arith.constant 0 : i32
    %dma_start3A_229 = tpu.memref_slice %arg3[%dma_start3A_227, %dma_start3A_228] : memref<200000x64xf32, #tpu.memory_space<hbm>> -> memref<200000x64xf32, #tpu.memory_space<hbm>>
    tpu.enqueue_indirect_dma source(%dma_start3A_229 : memref<200000x64xf32, #tpu.memory_space<hbm>>) target(%dma_start3A_224 : memref<128x64xf32, #tpu.memory_space<vmem>>) offsets(%dma_start3A_226 : memref<128xi32, #tpu.memory_space<vmem>>) semaphore(%arg9 : memref<!tpu.dma_semaphore, #tpu.memory_space<semaphore_mem>>)
    %dma_start3A_230 = arith.constant 256 : i32
    %dma_start3A_231 = arith.constant 0 : i32
    %dma_start3A_232 = tpu.memref_slice %arg7[%dma_start3A_230, %dma_start3A_231] : memref<400x64xf32, #tpu.memory_space<vmem>> -> memref<128x64xf32, #tpu.memory_space<vmem>>
    %dma_start3A_233 = arith.constant 1456 : i32
    %dma_start3A_234 = tpu.memref_slice %arg5[%dma_start3A_233] : memref<1600xi32, #tpu.memory_space<vmem>> -> memref<128xi32, #tpu.memory_space<vmem>>
    %dma_start3A_235 = arith.constant 0 : i32
    %dma_start3A_236 = arith.constant 0 : i32
    %dma_start3A_237 = tpu.memref_slice %arg3[%dma_start3A_235, %dma_start3A_236] : memref<200000x64xf32, #tpu.memory_space<hbm>> -> memref<200000x64xf32, #tpu.memory_space<hbm>>
    tpu.enqueue_indirect_dma source(%dma_start3A_237 : memref<200000x64xf32, #tpu.memory_space<hbm>>) target(%dma_start3A_232 : memref<128x64xf32, #tpu.memory_space<vmem>>) offsets(%dma_start3A_234 : memref<128xi32, #tpu.memory_space<vmem>>) semaphore(%arg9 : memref<!tpu.dma_semaphore, #tpu.memory_space<semaphore_mem>>)
    %dma_start3A_238 = arith.constant 384 : i32
    %dma_start3A_239 = arith.constant 0 : i32
    %dma_start3A_240 = tpu.memref_slice %arg7[%dma_start3A_238, %dma_start3A_239] : memref<400x64xf32, #tpu.memory_space<vmem>> -> memref<16x64xf32, #tpu.memory_space<vmem>>
    %dma_start3A_241 = arith.constant 1584 : i32
    %dma_start3A_242 = tpu.memref_slice %arg5[%dma_start3A_241] : memref<1600xi32, #tpu.memory_space<vmem>> -> memref<16xi32, #tpu.memory_space<vmem>>
    %dma_start3A_243 = arith.constant 0 : i32
    %dma_start3A_244 = arith.constant 0 : i32
    %dma_start3A_245 = tpu.memref_slice %arg3[%dma_start3A_243, %dma_start3A_244] : memref<200000x64xf32, #tpu.memory_space<hbm>> -> memref<200000x64xf32, #tpu.memory_space<hbm>>
    tpu.enqueue_indirect_dma source(%dma_start3A_245 : memref<200000x64xf32, #tpu.memory_space<hbm>>) target(%dma_start3A_240 : memref<16x64xf32, #tpu.memory_space<vmem>>) offsets(%dma_start3A_242 : memref<16xi32, #tpu.memory_space<vmem>>) semaphore(%arg9 : memref<!tpu.dma_semaphore, #tpu.memory_space<semaphore_mem>>)
    %scan3A_246 = arith.constant 0 : i32
    %scan3A_247 = arith.constant 2.000000e-02 : f32
    %scan3A_248 = arith.constant 0 : i32
    %scan3A_249 = arith.constant 8 : i32
    %scan3A_250 = arith.addi %scan3A_248, %scan3A_249 : i32
    %scan3A_251 = arith.constant 1 : i32
    scf.for %scan3A_292 = %scan3A_248 to %scan3A_250 step %scan3A_251  : i32 {
      %mul3A_293 = arith.constant 50 : i32
      %mul3A_294 = arith.muli %scan3A_292, %mul3A_293 : i32
      %broadcast_in_dim3A = arith.constant 0.000000e+00 : f32
      %broadcast_in_dim3A_295 = vector.broadcast %broadcast_in_dim3A : f32 to vector<16xf32>
      %broadcast_in_dim3A_296 = arith.constant 0.000000e+00 : f32
      %broadcast_in_dim3A_297 = vector.broadcast %broadcast_in_dim3A_296 : f32 to vector<16xf32>
      %broadcast_in_dim3A_298 = arith.constant 0.000000e+00 : f32
      %broadcast_in_dim3A_299 = vector.broadcast %broadcast_in_dim3A_298 : f32 to vector<16xf32>
      %broadcast_in_dim3A_300 = arith.constant 0.000000e+00 : f32
      %broadcast_in_dim3A_301 = vector.broadcast %broadcast_in_dim3A_300 : f32 to vector<16xf32>
      %scan3A_302 = arith.constant 0 : i32
      %scan3A_303 = arith.constant 25 : i32
      %scan3A_304 = arith.addi %scan3A_302, %scan3A_303 : i32
      %scan3A_305 = arith.constant 1 : i32
      %scan3A_306:4 = scf.for %scan3A_343 = %scan3A_302 to %scan3A_304 step %scan3A_305 iter_args(%scan3A_344 = %broadcast_in_dim3A_295, %scan3A_345 = %broadcast_in_dim3A_297, %scan3A_346 = %broadcast_in_dim3A_299, %scan3A_347 = %broadcast_in_dim3A_301) -> (vector<16xf32>, vector<16xf32>, vector<16xf32>, vector<16xf32>)  : i32 {
        %mul3A_348 = arith.constant 2 : i32
        %mul3A_349 = arith.muli %scan3A_343, %mul3A_348 : i32
        %add3A_350 = arith.addi %mul3A_294, %mul3A_349 : i32
        %add3A_351 = arith.constant 0 : i32
        %add3A_352 = arith.addi %add3A_350, %add3A_351 : i32
        %get3A = arith.index_cast %add3A_352 : i32 to index
        %get3A_353 = arith.constant 0 : index
        %get3A_354 = tpu.vector_load %arg6[%get3A, %get3A_353] {strides = array<i32>} : memref<400x64xf32, #tpu.memory_space<vmem>>, vector<1x16xf32>,
        %get3A_355 = vector.shape_cast %get3A_354 : vector<1x16xf32> to vector<16xf32>
        %add3A_356 = arith.addf %scan3A_344, %get3A_355 : vector<16xf32>
        %mul3A_357 = arith.constant 2 : i32
        %mul3A_358 = arith.muli %scan3A_343, %mul3A_357 : i32
        %add3A_359 = arith.addi %mul3A_294, %mul3A_358 : i32
        %add3A_360 = arith.constant 0 : i32
        %add3A_361 = arith.addi %add3A_359, %add3A_360 : i32
        %get3A_362 = arith.index_cast %add3A_361 : i32 to index
        %get3A_363 = arith.constant 16 : index
        %get3A_364 = tpu.vector_load %arg6[%get3A_362, %get3A_363] {strides = array<i32>} : memref<400x64xf32, #tpu.memory_space<vmem>>, vector<1x16xf32>,
        %get3A_365 = vector.shape_cast %get3A_364 : vector<1x16xf32> to vector<16xf32>
        %add3A_366 = arith.addf %scan3A_345, %get3A_365 : vector<16xf32>
        %mul3A_367 = arith.constant 2 : i32
        %mul3A_368 = arith.muli %scan3A_343, %mul3A_367 : i32
        %add3A_369 = arith.addi %mul3A_294, %mul3A_368 : i32
        %add3A_370 = arith.constant 0 : i32
        %add3A_371 = arith.addi %add3A_369, %add3A_370 : i32
        %get3A_372 = arith.index_cast %add3A_371 : i32 to index
        %get3A_373 = arith.constant 32 : index
        %get3A_374 = tpu.vector_load %arg6[%get3A_372, %get3A_373] {strides = array<i32>} : memref<400x64xf32, #tpu.memory_space<vmem>>, vector<1x16xf32>,
        %get3A_375 = vector.shape_cast %get3A_374 : vector<1x16xf32> to vector<16xf32>
        %add3A_376 = arith.addf %scan3A_346, %get3A_375 : vector<16xf32>
        %mul3A_377 = arith.constant 2 : i32
        %mul3A_378 = arith.muli %scan3A_343, %mul3A_377 : i32
        %add3A_379 = arith.addi %mul3A_294, %mul3A_378 : i32
        %add3A_380 = arith.constant 0 : i32
        %add3A_381 = arith.addi %add3A_379, %add3A_380 : i32
        %get3A_382 = arith.index_cast %add3A_381 : i32 to index
        %get3A_383 = arith.constant 48 : index
        %get3A_384 = tpu.vector_load %arg6[%get3A_382, %get3A_383] {strides = array<i32>} : memref<400x64xf32, #tpu.memory_space<vmem>>, vector<1x16xf32>,
        %get3A_385 = vector.shape_cast %get3A_384 : vector<1x16xf32> to vector<16xf32>
        %add3A_386 = arith.addf %scan3A_347, %get3A_385 : vector<16xf32>
        %mul3A_387 = arith.constant 2 : i32
        %mul3A_388 = arith.muli %scan3A_343, %mul3A_387 : i32
        %add3A_389 = arith.addi %mul3A_294, %mul3A_388 : i32
        %add3A_390 = arith.constant 1 : i32
        %add3A_391 = arith.addi %add3A_389, %add3A_390 : i32
        %get3A_392 = arith.index_cast %add3A_391 : i32 to index
        %get3A_393 = arith.constant 0 : index
        %get3A_394 = tpu.vector_load %arg6[%get3A_392, %get3A_393] {strides = array<i32>} : memref<400x64xf32, #tpu.memory_space<vmem>>, vector<1x16xf32>,
        %get3A_395 = vector.shape_cast %get3A_394 : vector<1x16xf32> to vector<16xf32>
        %add3A_396 = arith.addf %add3A_356, %get3A_395 : vector<16xf32>
        %mul3A_397 = arith.constant 2 : i32
        %mul3A_398 = arith.muli %scan3A_343, %mul3A_397 : i32
        %add3A_399 = arith.addi %mul3A_294, %mul3A_398 : i32
        %add3A_400 = arith.constant 1 : i32
        %add3A_401 = arith.addi %add3A_399, %add3A_400 : i32
        %get3A_402 = arith.index_cast %add3A_401 : i32 to index
        %get3A_403 = arith.constant 16 : index
        %get3A_404 = tpu.vector_load %arg6[%get3A_402, %get3A_403] {strides = array<i32>} : memref<400x64xf32, #tpu.memory_space<vmem>>, vector<1x16xf32>,
        %get3A_405 = vector.shape_cast %get3A_404 : vector<1x16xf32> to vector<16xf32>
        %add3A_406 = arith.addf %add3A_366, %get3A_405 : vector<16xf32>
        %mul3A_407 = arith.constant 2 : i32
        %mul3A_408 = arith.muli %scan3A_343, %mul3A_407 : i32
        %add3A_409 = arith.addi %mul3A_294, %mul3A_408 : i32
        %add3A_410 = arith.constant 1 : i32
        %add3A_411 = arith.addi %add3A_409, %add3A_410 : i32
        %get3A_412 = arith.index_cast %add3A_411 : i32 to index
        %get3A_413 = arith.constant 32 : index
        %get3A_414 = tpu.vector_load %arg6[%get3A_412, %get3A_413] {strides = array<i32>} : memref<400x64xf32, #tpu.memory_space<vmem>>, vector<1x16xf32>,
        %get3A_415 = vector.shape_cast %get3A_414 : vector<1x16xf32> to vector<16xf32>
        %add3A_416 = arith.addf %add3A_376, %get3A_415 : vector<16xf32>
        %mul3A_417 = arith.constant 2 : i32
        %mul3A_418 = arith.muli %scan3A_343, %mul3A_417 : i32
        %add3A_419 = arith.addi %mul3A_294, %mul3A_418 : i32
        %add3A_420 = arith.constant 1 : i32
        %add3A_421 = arith.addi %add3A_419, %add3A_420 : i32
        %get3A_422 = arith.index_cast %add3A_421 : i32 to index
        %get3A_423 = arith.constant 48 : index
        %get3A_424 = tpu.vector_load %arg6[%get3A_422, %get3A_423] {strides = array<i32>} : memref<400x64xf32, #tpu.memory_space<vmem>>, vector<1x16xf32>,
        %get3A_425 = vector.shape_cast %get3A_424 : vector<1x16xf32> to vector<16xf32>
        %add3A_426 = arith.addf %add3A_386, %get3A_425 : vector<16xf32>
        scf.yield %add3A_396, %add3A_406, %add3A_416, %add3A_426 : vector<16xf32>, vector<16xf32>, vector<16xf32>, vector<16xf32>
      }
      %scan3A_307 = arith.constant 25 : i32
      %mul3A_308 = vector.broadcast %scan3A_247 : f32 to vector<16xf32>
      %mul3A_309 = arith.mulf %scan3A_306#0, %mul3A_308 : vector<16xf32>
      %add3A_310 = arith.constant 16 : i32
      %add3A_311 = arith.addi %add3A_310, %scan3A_292 : i32
      %swap3A = arith.index_cast %add3A_311 : i32 to index
      %swap3A_312 = arith.constant 0 : index
      %swap3A_313 = tpu.vector_load %arg8[%swap3A, %swap3A_312] {strides = array<i32>} : memref<32x64xf32, #tpu.memory_space<vmem>>, vector<1x16xf32>,
      %swap3A_314 = vector.shape_cast %swap3A_313 : vector<1x16xf32> to vector<16xf32>
      %swap3A_315 = vector.shape_cast %mul3A_309 : vector<16xf32> to vector<1x16xf32>
      tpu.vector_store %arg8[%swap3A, %swap3A_312], %swap3A_315 {strides = array<i32>} : memref<32x64xf32, #tpu.memory_space<vmem>>, vector<1x16xf32>,
      %mul3A_316 = vector.broadcast %scan3A_247 : f32 to vector<16xf32>
      %mul3A_317 = arith.mulf %scan3A_306#1, %mul3A_316 : vector<16xf32>
      %add3A_318 = arith.constant 16 : i32
      %add3A_319 = arith.addi %add3A_318, %scan3A_292 : i32
      %swap3A_320 = arith.index_cast %add3A_319 : i32 to index
      %swap3A_321 = arith.constant 16 : index
      %swap3A_322 = tpu.vector_load %arg8[%swap3A_320, %swap3A_321] {strides = array<i32>} : memref<32x64xf32, #tpu.memory_space<vmem>>, vector<1x16xf32>,
      %swap3A_323 = vector.shape_cast %swap3A_322 : vector<1x16xf32> to vector<16xf32>
      %swap3A_324 = vector.shape_cast %mul3A_317 : vector<16xf32> to vector<1x16xf32>
      tpu.vector_store %arg8[%swap3A_320, %swap3A_321], %swap3A_324 {strides = array<i32>} : memref<32x64xf32, #tpu.memory_space<vmem>>, vector<1x16xf32>,
      %mul3A_325 = vector.broadcast %scan3A_247 : f32 to vector<16xf32>
      %mul3A_326 = arith.mulf %scan3A_306#2, %mul3A_325 : vector<16xf32>
      %add3A_327 = arith.constant 16 : i32
      %add3A_328 = arith.addi %add3A_327, %scan3A_292 : i32
      %swap3A_329 = arith.index_cast %add3A_328 : i32 to index
      %swap3A_330 = arith.constant 32 : index
      %swap3A_331 = tpu.vector_load %arg8[%swap3A_329, %swap3A_330] {strides = array<i32>} : memref<32x64xf32, #tpu.memory_space<vmem>>, vector<1x16xf32>,
      %swap3A_332 = vector.shape_cast %swap3A_331 : vector<1x16xf32> to vector<16xf32>
      %swap3A_333 = vector.shape_cast %mul3A_326 : vector<16xf32> to vector<1x16xf32>
      tpu.vector_store %arg8[%swap3A_329, %swap3A_330], %swap3A_333 {strides = array<i32>} : memref<32x64xf32, #tpu.memory_space<vmem>>, vector<1x16xf32>,
      %mul3A_334 = vector.broadcast %scan3A_247 : f32 to vector<16xf32>
      %mul3A_335 = arith.mulf %scan3A_306#3, %mul3A_334 : vector<16xf32>
      %add3A_336 = arith.constant 16 : i32
      %add3A_337 = arith.addi %add3A_336, %scan3A_292 : i32
      %swap3A_338 = arith.index_cast %add3A_337 : i32 to index
      %swap3A_339 = arith.constant 48 : index
      %swap3A_340 = tpu.vector_load %arg8[%swap3A_338, %swap3A_339] {strides = array<i32>} : memref<32x64xf32, #tpu.memory_space<vmem>>, vector<1x16xf32>,
      %swap3A_341 = vector.shape_cast %swap3A_340 : vector<1x16xf32> to vector<16xf32>
      %swap3A_342 = vector.shape_cast %mul3A_335 : vector<16xf32> to vector<1x16xf32>
      tpu.vector_store %arg8[%swap3A_338, %swap3A_339], %swap3A_342 {strides = array<i32>} : memref<32x64xf32, #tpu.memory_space<vmem>>, vector<1x16xf32>,
    }
    %scan3A_252 = arith.constant 8 : i32
    %dma_wait3A_253 = arith.constant 0 : i32
    %dma_wait3A_254 = arith.constant 0 : i32
    %dma_wait3A_255 = tpu.memref_slice %arg7[%dma_wait3A_253, %dma_wait3A_254] : memref<400x64xf32, #tpu.memory_space<vmem>> -> memref<128x64xf32, #tpu.memory_space<vmem>>
    %dma_wait3A_256 = arith.constant 1200 : i32
    %dma_wait3A_257 = tpu.memref_slice %arg5[%dma_wait3A_256] : memref<1600xi32, #tpu.memory_space<vmem>> -> memref<128xi32, #tpu.memory_space<vmem>>
    %dma_wait3A_258 = arith.constant 0 : i32
    %dma_wait3A_259 = arith.constant 0 : i32
    %dma_wait3A_260 = tpu.memref_slice %arg3[%dma_wait3A_258, %dma_wait3A_259] : memref<200000x64xf32, #tpu.memory_space<hbm>> -> memref<200000x64xf32, #tpu.memory_space<hbm>>
    tpu.wait_indirect_dma semaphore(%arg9 : memref<!tpu.dma_semaphore, #tpu.memory_space<semaphore_mem>>) src(%dma_wait3A_260 : memref<200000x64xf32, #tpu.memory_space<hbm>>) dst(%dma_wait3A_255 : memref<128x64xf32, #tpu.memory_space<vmem>>)
    %dma_wait3A_261 = arith.constant 128 : i32
    %dma_wait3A_262 = arith.constant 0 : i32
    %dma_wait3A_263 = tpu.memref_slice %arg7[%dma_wait3A_261, %dma_wait3A_262] : memref<400x64xf32, #tpu.memory_space<vmem>> -> memref<128x64xf32, #tpu.memory_space<vmem>>
    %dma_wait3A_264 = arith.constant 1328 : i32
    %dma_wait3A_265 = tpu.memref_slice %arg5[%dma_wait3A_264] : memref<1600xi32, #tpu.memory_space<vmem>> -> memref<128xi32, #tpu.memory_space<vmem>>
    %dma_wait3A_266 = arith.constant 0 : i32
    %dma_wait3A_267 = arith.constant 0 : i32
    %dma_wait3A_268 = tpu.memref_slice %arg3[%dma_wait3A_266, %dma_wait3A_267] : memref<200000x64xf32, #tpu.memory_space<hbm>> -> memref<200000x64xf32, #tpu.memory_space<hbm>>
    tpu.wait_indirect_dma semaphore(%arg9 : memref<!tpu.dma_semaphore, #tpu.memory_space<semaphore_mem>>) src(%dma_wait3A_268 : memref<200000x64xf32, #tpu.memory_space<hbm>>) dst(%dma_wait3A_263 : memref<128x64xf32, #tpu.memory_space<vmem>>)
    %dma_wait3A_269 = arith.constant 256 : i32
    %dma_wait3A_270 = arith.constant 0 : i32
    %dma_wait3A_271 = tpu.memref_slice %arg7[%dma_wait3A_269, %dma_wait3A_270] : memref<400x64xf32, #tpu.memory_space<vmem>> -> memref<128x64xf32, #tpu.memory_space<vmem>>
    %dma_wait3A_272 = arith.constant 1456 : i32
    %dma_wait3A_273 = tpu.memref_slice %arg5[%dma_wait3A_272] : memref<1600xi32, #tpu.memory_space<vmem>> -> memref<128xi32, #tpu.memory_space<vmem>>
    %dma_wait3A_274 = arith.constant 0 : i32
    %dma_wait3A_275 = arith.constant 0 : i32
    %dma_wait3A_276 = tpu.memref_slice %arg3[%dma_wait3A_274, %dma_wait3A_275] : memref<200000x64xf32, #tpu.memory_space<hbm>> -> memref<200000x64xf32, #tpu.memory_space<hbm>>
    tpu.wait_indirect_dma semaphore(%arg9 : memref<!tpu.dma_semaphore, #tpu.memory_space<semaphore_mem>>) src(%dma_wait3A_276 : memref<200000x64xf32, #tpu.memory_space<hbm>>) dst(%dma_wait3A_271 : memref<128x64xf32, #tpu.memory_space<vmem>>)
    %dma_wait3A_277 = arith.constant 384 : i32
    %dma_wait3A_278 = arith.constant 0 : i32
    %dma_wait3A_279 = tpu.memref_slice %arg7[%dma_wait3A_277, %dma_wait3A_278] : memref<400x64xf32, #tpu.memory_space<vmem>> -> memref<16x64xf32, #tpu.memory_space<vmem>>
    %dma_wait3A_280 = arith.constant 1584 : i32
    %dma_wait3A_281 = tpu.memref_slice %arg5[%dma_wait3A_280] : memref<1600xi32, #tpu.memory_space<vmem>> -> memref<16xi32, #tpu.memory_space<vmem>>
    %dma_wait3A_282 = arith.constant 0 : i32
    %dma_wait3A_283 = arith.constant 0 : i32
    %dma_wait3A_284 = tpu.memref_slice %arg3[%dma_wait3A_282, %dma_wait3A_283] : memref<200000x64xf32, #tpu.memory_space<hbm>> -> memref<200000x64xf32, #tpu.memory_space<hbm>>
    tpu.wait_indirect_dma semaphore(%arg9 : memref<!tpu.dma_semaphore, #tpu.memory_space<semaphore_mem>>) src(%dma_wait3A_284 : memref<200000x64xf32, #tpu.memory_space<hbm>>) dst(%dma_wait3A_279 : memref<16x64xf32, #tpu.memory_space<vmem>>)
    %scan3A_285 = arith.constant 0 : i32
    %scan3A_286 = arith.constant 2.000000e-02 : f32
    %scan3A_287 = arith.constant 0 : i32
    %scan3A_288 = arith.constant 8 : i32
    %scan3A_289 = arith.addi %scan3A_287, %scan3A_288 : i32
    %scan3A_290 = arith.constant 1 : i32
    scf.for %scan3A_292 = %scan3A_287 to %scan3A_289 step %scan3A_290  : i32 {
      %mul3A_293 = arith.constant 50 : i32
      %mul3A_294 = arith.muli %scan3A_292, %mul3A_293 : i32
      %broadcast_in_dim3A = arith.constant 0.000000e+00 : f32
      %broadcast_in_dim3A_295 = vector.broadcast %broadcast_in_dim3A : f32 to vector<16xf32>
      %broadcast_in_dim3A_296 = arith.constant 0.000000e+00 : f32
      %broadcast_in_dim3A_297 = vector.broadcast %broadcast_in_dim3A_296 : f32 to vector<16xf32>
      %broadcast_in_dim3A_298 = arith.constant 0.000000e+00 : f32
      %broadcast_in_dim3A_299 = vector.broadcast %broadcast_in_dim3A_298 : f32 to vector<16xf32>
      %broadcast_in_dim3A_300 = arith.constant 0.000000e+00 : f32
      %broadcast_in_dim3A_301 = vector.broadcast %broadcast_in_dim3A_300 : f32 to vector<16xf32>
      %scan3A_302 = arith.constant 0 : i32
      %scan3A_303 = arith.constant 25 : i32
      %scan3A_304 = arith.addi %scan3A_302, %scan3A_303 : i32
      %scan3A_305 = arith.constant 1 : i32
      %scan3A_306:4 = scf.for %scan3A_343 = %scan3A_302 to %scan3A_304 step %scan3A_305 iter_args(%scan3A_344 = %broadcast_in_dim3A_295, %scan3A_345 = %broadcast_in_dim3A_297, %scan3A_346 = %broadcast_in_dim3A_299, %scan3A_347 = %broadcast_in_dim3A_301) -> (vector<16xf32>, vector<16xf32>, vector<16xf32>, vector<16xf32>)  : i32 {
        %mul3A_348 = arith.constant 2 : i32
        %mul3A_349 = arith.muli %scan3A_343, %mul3A_348 : i32
        %add3A_350 = arith.addi %mul3A_294, %mul3A_349 : i32
        %add3A_351 = arith.constant 0 : i32
        %add3A_352 = arith.addi %add3A_350, %add3A_351 : i32
        %get3A = arith.index_cast %add3A_352 : i32 to index
        %get3A_353 = arith.constant 0 : index
        %get3A_354 = tpu.vector_load %arg7[%get3A, %get3A_353] {strides = array<i32>} : memref<400x64xf32, #tpu.memory_space<vmem>>, vector<1x16xf32>,
        %get3A_355 = vector.shape_cast %get3A_354 : vector<1x16xf32> to vector<16xf32>
        %add3A_356 = arith.addf %scan3A_344, %get3A_355 : vector<16xf32>
        %mul3A_357 = arith.constant 2 : i32
        %mul3A_358 = arith.muli %scan3A_343, %mul3A_357 : i32
        %add3A_359 = arith.addi %mul3A_294, %mul3A_358 : i32
        %add3A_360 = arith.constant 0 : i32
        %add3A_361 = arith.addi %add3A_359, %add3A_360 : i32
        %get3A_362 = arith.index_cast %add3A_361 : i32 to index
        %get3A_363 = arith.constant 16 : index
        %get3A_364 = tpu.vector_load %arg7[%get3A_362, %get3A_363] {strides = array<i32>} : memref<400x64xf32, #tpu.memory_space<vmem>>, vector<1x16xf32>,
        %get3A_365 = vector.shape_cast %get3A_364 : vector<1x16xf32> to vector<16xf32>
        %add3A_366 = arith.addf %scan3A_345, %get3A_365 : vector<16xf32>
        %mul3A_367 = arith.constant 2 : i32
        %mul3A_368 = arith.muli %scan3A_343, %mul3A_367 : i32
        %add3A_369 = arith.addi %mul3A_294, %mul3A_368 : i32
        %add3A_370 = arith.constant 0 : i32
        %add3A_371 = arith.addi %add3A_369, %add3A_370 : i32
        %get3A_372 = arith.index_cast %add3A_371 : i32 to index
        %get3A_373 = arith.constant 32 : index
        %get3A_374 = tpu.vector_load %arg7[%get3A_372, %get3A_373] {strides = array<i32>} : memref<400x64xf32, #tpu.memory_space<vmem>>, vector<1x16xf32>,
        %get3A_375 = vector.shape_cast %get3A_374 : vector<1x16xf32> to vector<16xf32>
        %add3A_376 = arith.addf %scan3A_346, %get3A_375 : vector<16xf32>
        %mul3A_377 = arith.constant 2 : i32
        %mul3A_378 = arith.muli %scan3A_343, %mul3A_377 : i32
        %add3A_379 = arith.addi %mul3A_294, %mul3A_378 : i32
        %add3A_380 = arith.constant 0 : i32
        %add3A_381 = arith.addi %add3A_379, %add3A_380 : i32
        %get3A_382 = arith.index_cast %add3A_381 : i32 to index
        %get3A_383 = arith.constant 48 : index
        %get3A_384 = tpu.vector_load %arg7[%get3A_382, %get3A_383] {strides = array<i32>} : memref<400x64xf32, #tpu.memory_space<vmem>>, vector<1x16xf32>,
        %get3A_385 = vector.shape_cast %get3A_384 : vector<1x16xf32> to vector<16xf32>
        %add3A_386 = arith.addf %scan3A_347, %get3A_385 : vector<16xf32>
        %mul3A_387 = arith.constant 2 : i32
        %mul3A_388 = arith.muli %scan3A_343, %mul3A_387 : i32
        %add3A_389 = arith.addi %mul3A_294, %mul3A_388 : i32
        %add3A_390 = arith.constant 1 : i32
        %add3A_391 = arith.addi %add3A_389, %add3A_390 : i32
        %get3A_392 = arith.index_cast %add3A_391 : i32 to index
        %get3A_393 = arith.constant 0 : index
        %get3A_394 = tpu.vector_load %arg7[%get3A_392, %get3A_393] {strides = array<i32>} : memref<400x64xf32, #tpu.memory_space<vmem>>, vector<1x16xf32>,
        %get3A_395 = vector.shape_cast %get3A_394 : vector<1x16xf32> to vector<16xf32>
        %add3A_396 = arith.addf %add3A_356, %get3A_395 : vector<16xf32>
        %mul3A_397 = arith.constant 2 : i32
        %mul3A_398 = arith.muli %scan3A_343, %mul3A_397 : i32
        %add3A_399 = arith.addi %mul3A_294, %mul3A_398 : i32
        %add3A_400 = arith.constant 1 : i32
        %add3A_401 = arith.addi %add3A_399, %add3A_400 : i32
        %get3A_402 = arith.index_cast %add3A_401 : i32 to index
        %get3A_403 = arith.constant 16 : index
        %get3A_404 = tpu.vector_load %arg7[%get3A_402, %get3A_403] {strides = array<i32>} : memref<400x64xf32, #tpu.memory_space<vmem>>, vector<1x16xf32>,
        %get3A_405 = vector.shape_cast %get3A_404 : vector<1x16xf32> to vector<16xf32>
        %add3A_406 = arith.addf %add3A_366, %get3A_405 : vector<16xf32>
        %mul3A_407 = arith.constant 2 : i32
        %mul3A_408 = arith.muli %scan3A_343, %mul3A_407 : i32
        %add3A_409 = arith.addi %mul3A_294, %mul3A_408 : i32
        %add3A_410 = arith.constant 1 : i32
        %add3A_411 = arith.addi %add3A_409, %add3A_410 : i32
        %get3A_412 = arith.index_cast %add3A_411 : i32 to index
        %get3A_413 = arith.constant 32 : index
        %get3A_414 = tpu.vector_load %arg7[%get3A_412, %get3A_413] {strides = array<i32>} : memref<400x64xf32, #tpu.memory_space<vmem>>, vector<1x16xf32>,
        %get3A_415 = vector.shape_cast %get3A_414 : vector<1x16xf32> to vector<16xf32>
        %add3A_416 = arith.addf %add3A_376, %get3A_415 : vector<16xf32>
        %mul3A_417 = arith.constant 2 : i32
        %mul3A_418 = arith.muli %scan3A_343, %mul3A_417 : i32
        %add3A_419 = arith.addi %mul3A_294, %mul3A_418 : i32
        %add3A_420 = arith.constant 1 : i32
        %add3A_421 = arith.addi %add3A_419, %add3A_420 : i32
        %get3A_422 = arith.index_cast %add3A_421 : i32 to index
        %get3A_423 = arith.constant 48 : index
        %get3A_424 = tpu.vector_load %arg7[%get3A_422, %get3A_423] {strides = array<i32>} : memref<400x64xf32, #tpu.memory_space<vmem>>, vector<1x16xf32>,
        %get3A_425 = vector.shape_cast %get3A_424 : vector<1x16xf32> to vector<16xf32>
        %add3A_426 = arith.addf %add3A_386, %get3A_425 : vector<16xf32>
        scf.yield %add3A_396, %add3A_406, %add3A_416, %add3A_426 : vector<16xf32>, vector<16xf32>, vector<16xf32>, vector<16xf32>
      }
      %scan3A_307 = arith.constant 25 : i32
      %mul3A_308 = vector.broadcast %scan3A_286 : f32 to vector<16xf32>
      %mul3A_309 = arith.mulf %scan3A_306#0, %mul3A_308 : vector<16xf32>
      %add3A_310 = arith.constant 24 : i32
      %add3A_311 = arith.addi %add3A_310, %scan3A_292 : i32
      %swap3A = arith.index_cast %add3A_311 : i32 to index
      %swap3A_312 = arith.constant 0 : index
      %swap3A_313 = tpu.vector_load %arg8[%swap3A, %swap3A_312] {strides = array<i32>} : memref<32x64xf32, #tpu.memory_space<vmem>>, vector<1x16xf32>,
      %swap3A_314 = vector.shape_cast %swap3A_313 : vector<1x16xf32> to vector<16xf32>
      %swap3A_315 = vector.shape_cast %mul3A_309 : vector<16xf32> to vector<1x16xf32>
      tpu.vector_store %arg8[%swap3A, %swap3A_312], %swap3A_315 {strides = array<i32>} : memref<32x64xf32, #tpu.memory_space<vmem>>, vector<1x16xf32>,
      %mul3A_316 = vector.broadcast %scan3A_286 : f32 to vector<16xf32>
      %mul3A_317 = arith.mulf %scan3A_306#1, %mul3A_316 : vector<16xf32>
      %add3A_318 = arith.constant 24 : i32
      %add3A_319 = arith.addi %add3A_318, %scan3A_292 : i32
      %swap3A_320 = arith.index_cast %add3A_319 : i32 to index
      %swap3A_321 = arith.constant 16 : index
      %swap3A_322 = tpu.vector_load %arg8[%swap3A_320, %swap3A_321] {strides = array<i32>} : memref<32x64xf32, #tpu.memory_space<vmem>>, vector<1x16xf32>,
      %swap3A_323 = vector.shape_cast %swap3A_322 : vector<1x16xf32> to vector<16xf32>
      %swap3A_324 = vector.shape_cast %mul3A_317 : vector<16xf32> to vector<1x16xf32>
      tpu.vector_store %arg8[%swap3A_320, %swap3A_321], %swap3A_324 {strides = array<i32>} : memref<32x64xf32, #tpu.memory_space<vmem>>, vector<1x16xf32>,
      %mul3A_325 = vector.broadcast %scan3A_286 : f32 to vector<16xf32>
      %mul3A_326 = arith.mulf %scan3A_306#2, %mul3A_325 : vector<16xf32>
      %add3A_327 = arith.constant 24 : i32
      %add3A_328 = arith.addi %add3A_327, %scan3A_292 : i32
      %swap3A_329 = arith.index_cast %add3A_328 : i32 to index
      %swap3A_330 = arith.constant 32 : index
      %swap3A_331 = tpu.vector_load %arg8[%swap3A_329, %swap3A_330] {strides = array<i32>} : memref<32x64xf32, #tpu.memory_space<vmem>>, vector<1x16xf32>,
      %swap3A_332 = vector.shape_cast %swap3A_331 : vector<1x16xf32> to vector<16xf32>
      %swap3A_333 = vector.shape_cast %mul3A_326 : vector<16xf32> to vector<1x16xf32>
      tpu.vector_store %arg8[%swap3A_329, %swap3A_330], %swap3A_333 {strides = array<i32>} : memref<32x64xf32, #tpu.memory_space<vmem>>, vector<1x16xf32>,
      %mul3A_334 = vector.broadcast %scan3A_286 : f32 to vector<16xf32>
      %mul3A_335 = arith.mulf %scan3A_306#3, %mul3A_334 : vector<16xf32>
      %add3A_336 = arith.constant 24 : i32
      %add3A_337 = arith.addi %add3A_336, %scan3A_292 : i32
      %swap3A_338 = arith.index_cast %add3A_337 : i32 to index
      %swap3A_339 = arith.constant 48 : index
      %swap3A_340 = tpu.vector_load %arg8[%swap3A_338, %swap3A_339] {strides = array<i32>} : memref<32x64xf32, #tpu.memory_space<vmem>>, vector<1x16xf32>,
      %swap3A_341 = vector.shape_cast %swap3A_340 : vector<1x16xf32> to vector<16xf32>
      %swap3A_342 = vector.shape_cast %mul3A_335 : vector<16xf32> to vector<1x16xf32>
      tpu.vector_store %arg8[%swap3A_338, %swap3A_339], %swap3A_342 {strides = array<i32>} : memref<32x64xf32, #tpu.memory_space<vmem>>, vector<1x16xf32>,
    }
    %scan3A_291 = arith.constant 8 : i32
    "tpu.region"() ({
      %run_scoped3A = tpu.sem_alloc : memref<!tpu.dma_semaphore, #tpu.memory_space<semaphore_mem>>
      %dma_start3A_292 = arith.constant 0 : i32
      %dma_start3A_293 = tpu.memref_slice %arg4[%mul3A_2, %dma_start3A_292] : memref<1024x64xf32, #tpu.memory_space<hbm>> -> memref<32x64xf32, #tpu.memory_space<hbm>>
      %dma_start3A_294 = arith.constant 0 : i32
      %dma_start3A_295 = tpu.memref_slice %arg4[%mul3A_2, %dma_start3A_294] : memref<1024x64xf32, #tpu.memory_space<hbm>> -> memref<32x64xf32, #tpu.memory_space<hbm>>
      tpu.enqueue_dma source(%arg8 : memref<32x64xf32, #tpu.memory_space<vmem>>) target(%dma_start3A_295 : memref<32x64xf32, #tpu.memory_space<hbm>>) target_semaphore(%run_scoped3A : memref<!tpu.dma_semaphore, #tpu.memory_space<semaphore_mem>>)
      %dma_wait3A_296 = arith.constant 0 : i32
      %dma_wait3A_297 = tpu.memref_slice %arg4[%mul3A_2, %dma_wait3A_296] : memref<1024x64xf32, #tpu.memory_space<hbm>> -> memref<32x64xf32, #tpu.memory_space<hbm>>
      %dma_wait3A_298 = arith.constant 0 : i32
      %dma_wait3A_299 = tpu.memref_slice %arg4[%mul3A_2, %dma_wait3A_298] : memref<1024x64xf32, #tpu.memory_space<hbm>> -> memref<32x64xf32, #tpu.memory_space<hbm>>
      tpu.wait_dma2 semaphore(%run_scoped3A : memref<!tpu.dma_semaphore, #tpu.memory_space<semaphore_mem>>) src(%arg8 : memref<32x64xf32, #tpu.memory_space<vmem>>) dst(%dma_wait3A_299 : memref<32x64xf32, #tpu.memory_space<hbm>>)
      tpu.yield
    }) : () -> ()
    return
  }
}

module attributes {stable_mosaic.version = 14 : i64} {
  func.func @mm(%arg0: i32, %arg1: memref<1024x64xf32, #tpu.memory_space<vmem>>, %arg2: memref<64x2048xf32, #tpu.memory_space<vmem>>, %arg3: memref<1x2048xf32, #tpu.memory_space<vmem>>, %arg4: memref<2048x1024xf32, #tpu.memory_space<vmem>>) attributes {dimension_semantics = [#tpu.dimension_semantics<arbitrary>], iteration_bounds = array<i64: 49>, scalar_prefetch = 0 : i64, scratch_operands = 0 : i64, tpu.core_type = #tpu.core_type<tc>, window_params = [{pipeline_mode = #tpu.pipeline_mode<synchronous>, transform_indices = @transform_0, window_bounds = array<i64: 1024, 64>}, {transform_indices = @transform_1, window_bounds = array<i64: 64, 2048>}, {transform_indices = @transform_2, window_bounds = array<i64: 1, 2048>}, {transform_indices = @transform_3, window_bounds = array<i64: 2048, 1024>}]} {
    %get3A = arith.constant 0 : index
    %get3A_0 = arith.constant 0 : index
    %get3A_1 = vector.load %arg2[%get3A, %get3A_0] : memref<64x2048xf32, #tpu.memory_space<vmem>>, vector<64x2048xf32>
    %get3A_2 = arith.constant 0 : index
    %get3A_3 = arith.constant 0 : index
    %get3A_4 = vector.load %arg1[%get3A_2, %get3A_3] : memref<1024x64xf32, #tpu.memory_space<vmem>>, vector<1024x64xf32>
    %dot_general3A = arith.constant dense<0.000000e+00> : vector<2048x1024xf32>
    %dot_general3A_5 = tpu.matmul %get3A_1, %get3A_4, %dot_general3A {dimension_numbers = #tpu.dot_dimension_numbers<[0], [1], [1], [0], [0, 1, 1, 0], [], []>, transpose_lhs_hint = false} : vector<64x2048xf32>, vector<1024x64xf32>, vector<2048x1024xf32> -> vector<2048x1024xf32>
    %broadcast_in_dim3A = arith.constant 1.000000e+00 : f32
    %broadcast_in_dim3A_6 = vector.broadcast %broadcast_in_dim3A : f32 to vector<1024x1xf32>
    %get3A_7 = arith.constant 0 : index
    %get3A_8 = arith.constant 0 : index
    %get3A_9 = vector.load %arg3[%get3A_7, %get3A_8] : memref<1x2048xf32, #tpu.memory_space<vmem>>, vector<1x2048xf32>
    %dot_general3A_10 = arith.constant dense<0.000000e+00> : vector<2048x1024xf32>
    %dot_general3A_11 = tpu.matmul %get3A_9, %broadcast_in_dim3A_6, %dot_general3A_10 {dimension_numbers = #tpu.dot_dimension_numbers<[0], [1], [1], [0], [0, 1, 1, 0], [], []>, transpose_lhs_hint = false} : vector<1x2048xf32>, vector<1024x1xf32>, vector<2048x1024xf32> -> vector<2048x1024xf32>
    %add3A = arith.addf %dot_general3A_5, %dot_general3A_11 : vector<2048x1024xf32>
    %swap3A = arith.constant 0 : index
    %swap3A_12 = arith.constant 0 : index
    %swap3A_13 = vector.load %arg4[%swap3A, %swap3A_12] : memref<2048x1024xf32, #tpu.memory_space<vmem>>, vector<2048x1024xf32>
    tpu.vector_store %arg4[%swap3A, %swap3A_12], %add3A {strides = array<i32>} : memref<2048x1024xf32, #tpu.memory_space<vmem>>, vector<2048x1024xf32>,
    return
  }
  func.func @transform_0(%arg0: i32) -> (i32, i32) {
    %c0_i32 = arith.constant 0 : i32
    %c0_i32_0 = arith.constant 0 : i32
    %c0_i32_1 = arith.constant 0 : i32
    return %c0_i32, %c0_i32_0 : i32, i32
  }
  func.func @transform_1(%arg0: i32) -> (i32, i32) {
    %c0_i32 = arith.constant 0 : i32
    %c0_i32_0 = arith.constant 0 : i32
    return %c0_i32, %arg0 : i32, i32
  }
  func.func @transform_2(%arg0: i32) -> (i32, i32) {
    %c0_i32 = arith.constant 0 : i32
    %c0_i32_0 = arith.constant 0 : i32
    return %c0_i32, %arg0 : i32, i32
  }
  func.func @transform_3(%arg0: i32) -> (i32, i32) {
    %c0_i32 = arith.constant 0 : i32
    %c0_i32_0 = arith.constant 0 : i32
    return %arg0, %c0_i32 : i32, i32
  }
}

</mosaic_0001>

<sc_bundles>
// kernel: kernel.4.cloned.1.call-start
scs
__scs_entry_jumppad:
0x0: {  	(pc) =	sbr.rel $0x88, $3  }
0x1: {  	(tag) =	ssettag $0x0;
	lr =	simm.s32 $0x1  }
0x2: {  	[smem:$0x3F9D] =	sst lr;
	_ =	strace $0xD0000000  }
0x3: {  	_ = 	snop  }
0x4: {  	_ = 	snop  }
0x5: {  	_ = 	snop  }
0x6: {  	_ = 	snop  }
0x7: {  	_ = 	snop  }
__scs_overlays_trampoline_lowered:
0x8: {  	[smem:$0x3FAC] =	sst s0  }
0x9: {  	[smem:$0x3FAD] =	sst s1  }
0xa: {  	[smem:$0x3FAE] =	sst s2  }
0xb: {  	[smem:$0x3FAF] =	sst s3  }
0xc: {  	[smem:$0x3FB0] =	sst s4  }
0xd: {  	[smem:$0x3FB1] =	sst s5  }
0xe: {  	[smem:$0x3FB2] =	sst s6  }
0xf: {  	[smem:$0x3FB3] =	sst s7  }
0x10: {  	[smem:$0x3FB4] =	sst s8  }
0x11: {  	[smem:$0x3FB5] =	sst s9;
	s0 =	simm.s32 @!p0 $0x0  }
0x12: {  	s1 =	sld [smem:$0x3F9B];
	s0 =	simm.s32 @p0 $0x1  }
0x13: {  	[smem:$0x3FB6] =	sst s0;
	s0 =	simm.s32 @!p1 $0x0  }
0x14: {  	s2 =	sld [smem:$0x3F9A];
	s0 =	simm.s32 @p1 $0x1  }
0x15: {  	[smem:$0x3FB7] =	sst s0;
	s0 =	simm.s32 @!p2 $0x0  }
0x16: {  	s3 =	sld [smem:$0x3FDB];
	s0 =	simm.s32 @p2 $0x1  }
0x17: {  	s4 =	simm.s32 $0x1BF5;
	[smem:$0x3FB9] =	sst s0  }
0x18: {  	s0 =	sld [smem:$0x3F9C];
	_ =	swait.ge [sflag:s4], $0x0  }
0x19: {  	s7 =	sld [smem:$0x3F9D]  }
0x1a: {  	s8 =	sadd.s32 $0xFFFFE003, lr  }
0x1b: {  	s9 =	sadd.s32 $0xFFFFFEF7, lr;
	s5 =	simm.s32 $0xFFFFFFFF;
	p2 =	slt.u32 s8, $0xFFFFF086  }
0x1c: {  	p1 =	slt.u32 s9, $0xF7A;
	s5 =	simm.s32 @!p2 $0x0  }
0x1d: {  	s5 =	simm.s32 @p1 $0x1;
	p0 =	seq.s32 s7, s2  }
0x1e: {  	s7 =	smul.u32 @!p0 $0xF7A, s2;
	p2 =	seq.s32 @!p0 s5, $0x0  }
0x1f: {  	s9 =	smul.u32 $0xF7A, s1;
	s8 =	simm.s32 @!p0 $0x1BF5;
	p2 =	por !p2, p0  }
0x20: {  	[sflag:s8] =	ssyncset.s32 @!p0 $0xFFFFF086;
	s6 =	sadd.s32 @!p0 s3, s7;
	s7 =	simm.s32 @!p0 $0x108  }
0x21: {  	s3 =	sadd.s32 s3, s9;
	s6 =	sadd.s32 @!p0 $0x88, s6;
	s7 =	simm.s32 @p2 $0x1082  }
0x22: {  	[simem:s7], [sflag:s8] =	dma.local @!p0 [hbm:s6], $0xF7A  }
0x23: {  	s9 =	sor.u32 $0xD0000000, s2;
	s6 =	simm.s32 $0x108;
	_ =	swait.ge @!p0 [sflag:s8], $0x0  }
0x24: {  	s3 =	sadd.s32 $0x88, s3;
	s6 =	simm.s32 @!p1 $0x1082;
	[sflag:s4] =	ssyncset.s32 $0xFFFFF086  }
0x25: {  	[simem:s6], [sflag:s4] =	dma.local [hbm:s3], $0xF7A  }
0x26: {  	[smem:$0x3F9D] =	sst s1;
	(tag) =	ssettag s2;
	_ =	strace s9  }
0x27: {  	s1 =	sld [smem:$0x3FAD]  }
0x28: {  	s2 =	sld [smem:$0x3FAE]  }
0x29: {  	s4 =	sld [smem:$0x3FB0]  }
0x2a: {  	p0 =	seq.s32 s5, $0x0;
	s5 =	sld [smem:$0x3FB1]  }
0x2b: {  	s6 =	sld [smem:$0x3FB2]  }
0x2c: {  	s7 =	sld [smem:$0x3FB3]  }
0x2d: {  	s3 =	simm.s32 $0x108;
	s8 =	sld [smem:$0x3FB4]  }
0x2e: {  	s3 =	simm.s32 @!p0 $0x1082;
	s9 =	sld [smem:$0x3FB5]  }
0x2f: {  	lr =	sadd.s32 s0, s3;
	s0 =	sld [smem:$0x3FAC]  }
0x30: {  	s3 =	sld [smem:$0x3FAF]  }
0x31: {  	[smem:$0x3FB8] =	sst s10  }
0x32: {  	s10 =	sld [smem:$0x3FB6];
	_ =	sdelay $0x3  }
0x33: {  	p0 =	seq.s32 s10, $0x1;
	s10 =	sld [smem:$0x3FB8];
	_ =	sdelay $0x3  }
0x34: {  	[smem:$0x3FB8] =	sst s10  }
0x35: {  	s10 =	sld [smem:$0x3FB7];
	_ =	sdelay $0x3  }
0x36: {  	p1 =	seq.s32 s10, $0x1;
	s10 =	sld [smem:$0x3FB8];
	_ =	sdelay $0x3  }
0x37: {  	[smem:$0x3FB8] =	sst s10  }
0x38: {  	s10 =	sld [smem:$0x3FB9]  }
0x39: {  	_ = 	snop;
	(pc) =	sbr.ind lr, $3  }
0x3a: {  	_ = 	snop  }
0x3b: {  	_ = 	snop  }
0x3c: {  	p2 =	seq.s32 s10, $0x1;
	s10 =	sld [smem:$0x3FB8]  }
0x3d: {  	_ =	shalt  }
0x3e: {  	_ =	shalt  }
0x3f: {  	_ =	shalt  }
0x40: {  	_ =	shalt  }
0x41: {  	_ =	shalt  }
0x42: {  	_ =	shalt  }
0x43: {  	_ =	shalt  }
0x44: {  	_ =	shalt  }
0x45: {  	_ =	shalt  }
0x46: {  	_ =	shalt  }
0x47: {  	_ =	shalt  }
0x48: {  	_ =	shalt  }
0x49: {  	_ =	shalt  }
0x4a: {  	_ =	shalt  }
0x4b: {  	_ =	shalt  }
0x4c: {  	_ =	shalt  }
0x4d: {  	_ =	shalt  }
0x4e: {  	_ =	shalt  }
0x4f: {  	_ =	shalt  }
0x50: {  	_ =	shalt  }
0x51: {  	_ =	shalt  }
0x52: {  	_ =	shalt  }
0x53: {  	_ =	shalt  }
0x54: {  	_ =	shalt  }
0x55: {  	_ =	shalt  }
0x56: {  	_ =	shalt  }
0x57: {  	_ =	shalt  }
0x58: {  	_ =	shalt  }
0x59: {  	_ =	shalt  }
0x5a: {  	_ =	shalt  }
0x5b: {  	_ =	shalt  }
0x5c: {  	_ =	shalt  }
0x5d: {  	_ =	shalt  }
0x5e: {  	_ =	shalt  }
0x5f: {  	_ =	shalt  }
0x60: {  	_ =	shalt  }
0x61: {  	_ =	shalt  }
0x62: {  	_ =	shalt  }
0x63: {  	_ =	shalt  }
0x64: {  	_ =	shalt  }
0x65: {  	_ =	shalt  }
0x66: {  	_ =	shalt  }
0x67: {  	_ =	shalt  }
0x68: {  	_ =	shalt  }
0x69: {  	_ =	shalt  }
0x6a: {  	_ =	shalt  }
0x6b: {  	_ =	shalt  }
0x6c: {  	_ =	shalt  }
0x6d: {  	_ =	shalt  }
0x6e: {  	_ =	shalt  }
0x6f: {  	_ =	shalt  }
0x70: {  	_ =	shalt  }
0x71: {  	_ =	shalt  }
0x72: {  	_ =	shalt  }
0x73: {  	_ =	shalt  }
0x74: {  	_ =	shalt  }
0x75: {  	_ =	shalt  }
0x76: {  	_ =	shalt  }
0x77: {  	_ =	shalt  }
0x78: {  	_ =	shalt  }
0x79: {  	_ =	shalt  }
0x7a: {  	_ =	shalt  }
0x7b: {  	_ =	shalt  }
0x7c: {  	_ =	shalt  }
0x7d: {  	_ =	shalt  }
0x7e: {  	_ =	shalt  }
0x7f: {  	_ =	shalt  }
0x80: {  	_ =	shalt  }
0x81: {  	_ =	shalt  }
0x82: {  	_ =	shalt  }
0x83: {  	_ =	shalt  }
0x84: {  	_ =	shalt  }
0x85: {  	_ =	shalt  }
0x86: {  	_ =	shalt  }
0x87: {  	_ =	shalt  }
.Lfunc_end0:
.L_simem_size_0:
called_computation_lowered:
.L_overlay_start_0:
0x88: {  	s2 =	sld [smem:$0x3FD9]  }
0x89: {  	s3 =	sld [smem:$0x3FFE];
	_ =	sdelay $0x1  }
0x8a: {  	s1 =	srdreg.scid  }
0x8b: {  	s0 =	sand.u32 $0x1, s1  }
0x8c: {  	s17 =	sshll.u32 s0, $0xA;
	s2 =	sadd.s32 s3, s2  }
0x8d: {  	s2 =	sadd.s32 s2, s17  }
0x8e: {  	[smem:$0x3FC4] =	sst s2  }
0x8f: {  	_ = 	snop  }
0x90: {  	s2 =	sld [smem:$0x3FD0];
	(tm) =	ssettm $0x1  }
0x91: {  	s18 =	sld [smem:$0x3FFB];
	_ =	sdelay $0x3  }
0x92: {  	_ =	strace s18  }
0x93: {  	s3 =	sld [smem:$0x3FFC];
	_ =	sdelay $0x3  }
0x94: {  	_ =	strace s3  }
0x95: {  	s3 =	sld [smem:$0x3FFD];
	_ =	sdelay $0x3  }
0x96: {  	_ =	strace s3  }
0x97: {  	_ =	strace $0x8FFFFFFF  }
0x98: {  	s19 =	sld [smem:$0x3FDB];
	_ =	sdelay $0x1  }
0x99: {  	s4 =	simm.s32 $_scs_section_size  }
0x9a: {  	s5 =	simm.s32 $_size__tile_overlayer_lowered;
	s6 =	simm.s32 $_tile_overlayer_lowered  }
0x9b: {  	s22 =	simm.s32 $0x1BFF;
	s21 =	sshll.u32 s6, $0x1;
	s3 =	sadd.s32 s4, s19  }
0x9c: {  	s7 =	simm.s32 $0x0;
	s20 =	sshll.u32 s5, $0x1;
	s5 =	sadd.s32 s21, s3  }
0x9d: {  	[timem:s7], [sflag:s22] =	dma.local [hbm:s5], s20  }
0x9e: {  	_ =	swait.ge [sflag:s22], s20  }
0x9f: {  	s4 =	ssub.s32 $0x0, s20;
	[sflag:s22] =	ssyncset.done $0x0  }
0xa0: {  	[sflag:s22] =	ssyncadd.s32 s4;
	_ =	sdelay $0x1  }
0xa1: {  	s23 =	simm.s32 $0x1B8B  }
0xa2: {  	_ =	swait.ge [sflag:s23], $0x1  }
0xa3: {  	[sflag:s23] =	ssyncset.done $0x0  }
0xa4: {  	s25 =	simm.s32 $0x1B8E;
	s24 =	sld [smem:$0x3FFE];
	[sflag:s23] =	ssyncadd.s32 $0xFFFFFFFF  }
0xa5: {  	s26 =	simm.s32 $execute0_lowered;
	[smem:$0x3FD2] =	sst s25  }
0xa6: {  	s5 =	sshll.u32 s26, $0x1;
	_ =	strace $0x80000046;
	[dreg:$0x1] =	wrdreg $0xFFFFFFFF  }
0xa7: {  	s28 =	simm.s32 $_size_execute0_lowered;
	s3 =	sadd.s32 s3, s5;
	[dreg:$0x0] =	wrdreg $0x0  }
0xa8: {  	s5 =	sshll.u32 s28, $0x1;
	[dreg:$0x2] =	wrdreg s3  }
0xa9: {  	[dreg:$0x3] =	wrdreg s5  }
0xaa: {  	[dreg:$0x4] =	wrdreg $0xC0  }
0xab: {  	_ =	task [dreg:s7], $0x5FFFF  }
0xac: {  	[dreg:$0x1] =	wrdreg $0xFFFFFFFF  }
0xad: {  	[dreg:$0x0] =	wrdreg $0x60  }
0xae: {  	[dreg:$0x2] =	wrdreg s24  }
0xaf: {  	[dreg:$0x3] =	wrdreg s2  }
0xb0: {  	[dreg:$0x4] =	wrdreg $0x9  }
0xb1: {  	_ =	task.clear_ibuf [dreg:s7], $0x5FFFF;
	_ =	strace $0x90000046  }
0xb2: {  	s29 =	simm.s32 $0x9;
	_ =	strace $0x80000048  }
0xb3: {  	_ =	swait.ge [sflag:s29], $0x1  }
0xb4: {  	[sflag:s29] =	ssyncadd.s32 $0xFFFFFFFF  }
0xb5: {  	_ =	strace $0x90000048  }
0xb6: {  	_ =	sfence  }
0xb7: {  	s30 =	sld [smem:$0x0];
	_ =	sdelay $0x2  }
0xb8: {  	s31 =	sshll.u32 s1, $0xD;
	s1 =	sshrl.u32 s1, $0x2  }
0xb9: {  	s3 =	sand.u32 $0x4000, s31;
	s1 =	sadd.s32 s1, s30  }
0xba: {  	s0 =	sor.u32 s3, s0;
	s1 =	sshll.u32 s1, $0x11  }
0xbb: {  	s0 =	sor.u32 s1, s0  }
0xbc: {  	s0 =	sadd.s32 $0x8F2B, s0  }
0xbd: {  	[sflag:s0] =	ssyncadd.remote.s32 $0x1  }
0xbe: {  	_ =	sfence.sel $0xFFFF  }
0xbf: {  	[dreg:$0x0] =	wrdreg $0xFFFFFFFF;
	(pc) =	sbr.abs _section_cstart, $3  }
0xc0: {  	[dreg:$0x1] =	wrdreg $0xFFFFFFFF  }
0xc1: {  	_ =	task.clear_ibuf [dreg:s7], $0x2FFFF;
	_ =	strace $0x9FFFFFFF  }
0xc2: {  	(tm) =	ssettm $0x7FFFFFFF  }
0xc3: {  	_ =	shalt  }
tec
execute0_lowered:
.L_overlay_start_1:
0x0: {  	(tag) =	ssettag $0x1  }
0x1: {  	s0 =	rddreg [dreg:$0x0]  }
0x2: {  	s1 =	srdreg.scid;
	s2 =	stileid.u32  }
0x3: {  	s5 =	rddreg [dreg:$0x1];
	s7 =	simm.s32 $0x2;
	s8 =	simm.s32 $0x80  }
0x4: {  	s9 =	simm.s32 $0x640;
	s10 =	simm.s32 $0x2640;
	s12 =	simm.s32 $0x4640  }
0x5: {  	s13 =	simm.s32 $0x10;
	s15 =	simm.s32 $0x6640;
	s16 =	simm.s32 $0x1  }
0x6: {  	s18 =	simm.s32 $0x6A40;
	s20 =	simm.s32 $0x8A40;
	s22 =	simm.s32 $0xAA40  }
0x7: {  	s24 =	simm.s32 $0xCA40;
	s28 =	simm.s32 $0x420;
	s29 =	simm.s32 $0x4A0  }
0x8: {  	s30 =	simm.s32 $0x4B0;
	s31 =	simm.s32 $0x530;
	s11 =	simm.s32 $0xCE40  }
0x9: {  	s1 =	sand.u32 $0x1, s1;
	s3 =	sshll.u32 s2, $0x1;
	s2 =	simm.s32 $0x0  }
0xa: {  	s14 =	simm.s32 $0x0;
	s6 =	sor.u32 s1, s3;
	[smem:$0x7FF] =	sst s2  }
0xb: {  	s1 =	ssub.s32 $0x2, s1;
	s3 =	smul.u32 $0xC8, s6;
	s26 =	sshll.u32 s6, $0x8  }
0xc: {  	_ =	strace $0x80000047;
	s25 =	sshrl.u32 s1, $0x1;
	s5 =	sadd.s32 s5, s26  }
0xd: {  	s26 =	simm.s32 $0x3A0;
	s4 =	sadd.s32 s3, s0;
	s3 =	sadd.s32 $0x2000, s0  }
0xe: {  	s0 =	ssub.s32 s1, s25;
	s25 =	simm.s32 $0x320;
	s1 =	simm.s32 $0x5B0  }
0xf: {  	s4 =	sadd.s32 $0x600, s4;
	s6 =	smax.u32 s0, $0x1;
	s0 =	simm.s32 $0x630  }
.LBB2_1:
0x10: {  	[tilespmem:s2], [sflag:$0x2] =	stream.linear.gather [hbm4b:s4+s2], $0x640, $0x38;
	[tilespmem:$0xD640] =	vst v63  }
0x11: {  	_ =	swait.ge [sflag:s7], $0x640  }
0x12: {  	[sflag:s7] =	ssyncset.done $0x0  }
0x13: {  	s17 =	simm.s32 $0x0;
	s19 =	simm.s32 $0x40;
	[sflag:s7] =	ssyncadd.s32 $0xFFFFF9C0  }
.LBB2_2:
0x14: {  	p0 =	sne.s32 s19, $0x18C0;
	v0 =	vld [tilespmem:s17+$0x0];
	_ =	sdelay $0x1  }
.Ltmp0:
0x15: {  	(pc) =	sbr.rel @p0 .LBB2_2-.Ltmp0, $3  }
0x16: {  	_ =	sdelay $0x1  }
0x17: {  	v0 =	vshll.u32 v0, $0x1  }
0x18: {  	[tilespmem:s17+$0x0] =	vst v0;
	s17 =	sshra.s32 s19, $0x2;
	s19 =	sadd.s32 $0x40, s19  }
0x19: {  	v0 =	vld [tilespmem:s17+$0x0];
	_ =	sdelay $0x4  }
0x1a: {  	v0 =	vshll.u32 v0, $0x1  }
0x1b: {  	[tilespmem:s17+$0x0] =	vst v0;
	s17 =	simm.s32 $0x0  }
0x1c: {  	[tilespmem:s9], [sflag:$0x1] =	stream.indirect.gather [hbm4b:s3+s8], $0x40, s17, s8, $0xb8;
	[tilespmem:$0xD640] =	vst v63  }
0x1d: {  	_ = 	snop  }
0x1e: {  	[tilespmem:s10], [sflag:$0x1] =	stream.indirect.gather [hbm4b:s3+s8], $0x40, s8, s8, $0xb8;
	[tilespmem:$0xD640] =	vst v63  }
0x1f: {  	s19 =	simm.s32 $0x100  }
0x20: {  	[tilespmem:s12], [sflag:$0x1] =	stream.indirect.gather [hbm4b:s3+s8], $0x40, s19, s8, $0xb8;
	[tilespmem:$0xD640] =	vst v63  }
0x21: {  	s23 =	simm.s32 $0x180  }
0x22: {  	[tilespmem:s15], [sflag:$0x1] =	stream.indirect.gather [hbm4b:s3+s13], $0x40, s23, s13, $0xb8;
	[tilespmem:$0xD640] =	vst v63  }
0x23: {  	_ =	swait.ge [sflag:s16], $0x2000  }
0x24: {  	[sflag:s16] =	ssyncset.done $0x0  }
0x25: {  	[sflag:s16] =	ssyncadd.s32 $0xFFFFE000  }
0x26: {  	_ =	swait.ge [sflag:s16], $0x2000  }
0x27: {  	[sflag:s16] =	ssyncset.done $0x0  }
0x28: {  	[sflag:s16] =	ssyncadd.s32 $0xFFFFE000  }
0x29: {  	_ =	swait.ge [sflag:s16], $0x2000  }
0x2a: {  	[sflag:s16] =	ssyncset.done $0x0  }
0x2b: {  	[sflag:s16] =	ssyncadd.s32 $0xFFFFE000  }
0x2c: {  	_ =	swait.ge [sflag:s16], $0x400  }
0x2d: {  	[sflag:s16] =	ssyncset.done $0x0  }
0x2e: {  	s21 =	simm.s32 $0x190;
	[sflag:s16] =	ssyncadd.s32 $0xFFFFFC00  }
0x2f: {  	[tilespmem:s18], [sflag:$0x1] =	stream.indirect.gather [hbm4b:s3+s8], $0x40, s21, s8, $0xb8;
	[tilespmem:$0xD640] =	vst v63  }
0x30: {  	s23 =	simm.s32 $0x210  }
0x31: {  	[tilespmem:s20], [sflag:$0x1] =	stream.indirect.gather [hbm4b:s3+s8], $0x40, s23, s8, $0xb8;
	[tilespmem:$0xD640] =	vst v63  }
0x32: {  	s21 =	simm.s32 $0x290  }
0x33: {  	[tilespmem:s22], [sflag:$0x1] =	stream.indirect.gather [hbm4b:s3+s8], $0x40, s21, s8, $0xb8;
	[tilespmem:$0xD640] =	vst v63  }
0x34: {  	s19 =	simm.s32 $0x680;
	s23 =	simm.s32 $0x310  }
0x35: {  	[tilespmem:s24], [sflag:$0x1] =	stream.indirect.gather [hbm4b:s3+s13], $0x40, s23, s13, $0xb8;
	[tilespmem:$0xD640] =	vst v63  }
.LBB2_4:
0x36: {  	v0 =	vmov s19;
	_ =	sdelay $0x3  }
0x37: {  	s23 =	simm.s32 $0x0  }
0x38: {  	v8 =	vld.idx.msk [tilespmem:v0+s23+$0x0 ss:$0x1], $0xffff  }
0x39: {  	v12 =	vld.idx.msk [tilespmem:v0+s23+$0x10 ss:$0x1], $0xffff  }
0x3a: {  	v6 =	vld.idx.msk [tilespmem:v0+s23+$0xFFFFFFC0 ss:$0x1], $0xffff  }
0x3b: {  	v7 =	vld.idx.msk [tilespmem:v0+s23+$0xFFFFFFD0 ss:$0x1], $0xffff  }
0x3c: {  	v9 =	vld.idx.msk [tilespmem:v0+s23+$0xFFFFFFE0 ss:$0x1], $0xffff  }
0x3d: {  	v10 =	vld.idx.msk [tilespmem:v0+s23+$0xFFFFFFF0 ss:$0x1], $0xffff  }
0x3e: {  	v2 =	vld.idx.msk [tilespmem:v0+s23+$0x20 ss:$0x1], $0xffff  }
0x3f: {  	s21 =	simm.s32 $0x80;
	v4 =	vld.idx.msk [tilespmem:v0+s23+$0x30 ss:$0x1], $0xffff  }
0x40: {  	v3 =	vld.idx.msk [tilespmem:v0+s21+$0x0 ss:$0x1], $0xffff  }
0x41: {  	v13 =	vimm.f32 $0.0e+00;
	v1 =	vld.idx.msk [tilespmem:v0+s21+$0x10 ss:$0x1], $0xffff  }
0x42: {  	v5 =	vld.idx.msk [tilespmem:v0+s21+$0xFFFFFFC0 ss:$0x1], $0xffff;
	v14 =	vadd.f32 v6, v13;
	v15 =	vadd.f32 v7, v13  }
0x43: {  	v6 =	vld.idx.msk [tilespmem:v0+s21+$0xFFFFFFD0 ss:$0x1], $0xffff;
	v11 =	vadd.f32 v9, v13;
	v10 =	vadd.f32 v10, v13  }
0x44: {  	s23 =	simm.s32 $0x400;
	v7 =	vld.idx.msk [tilespmem:v0+s21+$0xFFFFFFE0 ss:$0x1], $0xffff;
	v9 =	vadd.f32 v8, v14;
	v8 =	vadd.f32 v12, v15  }
.LBB2_5:
0x45: {  	p0 =	sne.s32 s23, $0x3000;
	v12 =	vld.idx.msk [tilespmem:v0+s21+$0xFFFFFFF0 ss:$0x1], $0xffff;
	v11 =	vadd.f32 v2, v11;
	v10 =	vadd.f32 v4, v10  }
0x46: {  	v13 =	vmov v3;
	v2 =	vld.idx.msk [tilespmem:v0+s21+$0x20 ss:$0x1], $0xffff  }
0x47: {  	v14 =	vmov v1;
	v4 =	vld.idx.msk [tilespmem:v0+s21+$0x30 ss:$0x1], $0xffff;
	s21 =	sshra.s32 s23, $0x2  }
.Ltmp1:
0x48: {  	v3 =	vld.idx.msk [tilespmem:v0+s21+$0x0 ss:$0x1], $0xffff;
	(pc) =	sbr.rel @p0 .LBB2_5-.Ltmp1, $4  }
0x49: {  	v1 =	vld.idx.msk [tilespmem:v0+s21+$0x10 ss:$0x1], $0xffff  }
0x4a: {  	v9 =	vadd.f32 v5, v9;
	v8 =	vadd.f32 v6, v8;
	v5 =	vld.idx.msk [tilespmem:v0+s21+$0xFFFFFFC0 ss:$0x1], $0xffff  }
0x4b: {  	v11 =	vadd.f32 v7, v11;
	v10 =	vadd.f32 v12, v10;
	v6 =	vld.idx.msk [tilespmem:v0+s21+$0xFFFFFFD0 ss:$0x1], $0xffff  }
0x4c: {  	s23 =	sadd.s32 $0x200, s23;
	v9 =	vadd.f32 v13, v9;
	v8 =	vadd.f32 v14, v8;
	v7 =	vld.idx.msk [tilespmem:v0+s21+$0xFFFFFFE0 ss:$0x1], $0xffff  }
0x4d: {  	_ =	sdelay $0x3  }
0x4e: {  	v12 =	vld.idx.msk [tilespmem:v0+s21+$0xFFFFFFF0 ss:$0x1], $0xffff  }
0x4f: {  	v13 =	vld.idx.msk [tilespmem:v0+s21+$0x20 ss:$0x1], $0xffff  }
0x50: {  	v2 =	vadd.f32 v2, v11;
	v63 =	vld.idx.msk [tilespmem:v0+s21+$0x30 ss:$0x1], $0xffff;
	v5 =	vadd.f32 v5, v9  }
0x51: {  	v4 =	vadd.f32 v4, v10;
	v6 =	vadd.f32 v6, v8  }
0x52: {  	v2 =	vadd.f32 v7, v2;
	v3 =	vadd.f32 v3, v5  }
0x53: {  	s23 =	sshll.u32 s17, $0x6;
	s17 =	sadd.s32 $0x1, s17;
	v4 =	vadd.f32 v12, v4;
	v1 =	vadd.f32 v1, v6  }
0x54: {  	p0 =	sne.s32 s17, $0x8;
	v2 =	vadd.f32 v13, v2;
	v3 =	vmul.f32 $1.999999960e-02, v3  }
.Ltmp2:
0x55: {  	s21 =	sand.u32 $0x3FFFFFC0, s23;
	v0 =	vadd.f32 v63, v4;
	v1 =	vmul.f32 $1.999999960e-02, v1;
	(pc) =	sbr.rel @p0 .LBB2_4-.Ltmp2, $4  }
0x56: {  	[tilespmem:s21+$0xCE40] =	vst v3;
	v2 =	vmul.f32 $1.999999960e-02, v2  }
0x57: {  	[tilespmem:s21+$0xCE50] =	vst v1;
	v0 =	vmul.f32 $1.999999960e-02, v0  }
0x58: {  	[tilespmem:s21+$0xCE60] =	vst v2  }
0x59: {  	s19 =	sadd.s32 $0xC80, s19;
	[tilespmem:s21+$0xCE70] =	vst v0  }
0x5a: {  	_ =	swait.ge [sflag:s16], $0x2000  }
0x5b: {  	[sflag:s16] =	ssyncset.done $0x0  }
0x5c: {  	[sflag:s16] =	ssyncadd.s32 $0xFFFFE000  }
0x5d: {  	_ =	swait.ge [sflag:s16], $0x2000  }
0x5e: {  	[sflag:s16] =	ssyncset.done $0x0  }
0x5f: {  	[sflag:s16] =	ssyncadd.s32 $0xFFFFE000  }
0x60: {  	_ =	swait.ge [sflag:s16], $0x2000  }
0x61: {  	[sflag:s16] =	ssyncset.done $0x0  }
0x62: {  	[sflag:s16] =	ssyncadd.s32 $0xFFFFE000  }
0x63: {  	_ =	swait.ge [sflag:s16], $0x400  }
0x64: {  	[sflag:s16] =	ssyncset.done $0x0  }
0x65: {  	[sflag:s16] =	ssyncadd.s32 $0xFFFFFC00  }
0x66: {  	[tilespmem:s9], [sflag:$0x1] =	stream.indirect.gather [hbm4b:s3+s8], $0x40, s25, s8, $0xb8;
	[tilespmem:$0xD640] =	vst v63  }
0x67: {  	_ = 	snop  }
0x68: {  	[tilespmem:s10], [sflag:$0x1] =	stream.indirect.gather [hbm4b:s3+s8], $0x40, s26, s8, $0xb8;
	[tilespmem:$0xD640] =	vst v63  }
0x69: {  	_ = 	snop  }
0x6a: {  	[tilespmem:s12], [sflag:$0x1] =	stream.indirect.gather [hbm4b:s3+s8], $0x40, s28, s8, $0xb8;
	[tilespmem:$0xD640] =	vst v63  }
0x6b: {  	s17 =	simm.s32 $0x0;
	s19 =	simm.s32 $0x6A80  }
0x6c: {  	[tilespmem:s15], [sflag:$0x1] =	stream.indirect.gather [hbm4b:s3+s13], $0x40, s29, s13, $0xb8;
	[tilespmem:$0xD640] =	vst v63  }
.LBB2_8:
0x6d: {  	v0 =	vmov s19;
	_ =	sdelay $0x3  }
0x6e: {  	s23 =	simm.s32 $0x0  }
0x6f: {  	v8 =	vld.idx.msk [tilespmem:v0+s23+$0x0 ss:$0x1], $0xffff  }
0x70: {  	v12 =	vld.idx.msk [tilespmem:v0+s23+$0x10 ss:$0x1], $0xffff  }
0x71: {  	v6 =	vld.idx.msk [tilespmem:v0+s23+$0xFFFFFFC0 ss:$0x1], $0xffff  }
0x72: {  	v7 =	vld.idx.msk [tilespmem:v0+s23+$0xFFFFFFD0 ss:$0x1], $0xffff  }
0x73: {  	v9 =	vld.idx.msk [tilespmem:v0+s23+$0xFFFFFFE0 ss:$0x1], $0xffff  }
0x74: {  	v10 =	vld.idx.msk [tilespmem:v0+s23+$0xFFFFFFF0 ss:$0x1], $0xffff  }
0x75: {  	v2 =	vld.idx.msk [tilespmem:v0+s23+$0x20 ss:$0x1], $0xffff  }
0x76: {  	s21 =	simm.s32 $0x80;
	v4 =	vld.idx.msk [tilespmem:v0+s23+$0x30 ss:$0x1], $0xffff  }
0x77: {  	v3 =	vld.idx.msk [tilespmem:v0+s21+$0x0 ss:$0x1], $0xffff  }
0x78: {  	v13 =	vimm.f32 $0.0e+00;
	v1 =	vld.idx.msk [tilespmem:v0+s21+$0x10 ss:$0x1], $0xffff  }
0x79: {  	v5 =	vld.idx.msk [tilespmem:v0+s21+$0xFFFFFFC0 ss:$0x1], $0xffff;
	v14 =	vadd.f32 v6, v13;
	v15 =	vadd.f32 v7, v13  }
0x7a: {  	v6 =	vld.idx.msk [tilespmem:v0+s21+$0xFFFFFFD0 ss:$0x1], $0xffff;
	v11 =	vadd.f32 v9, v13;
	v10 =	vadd.f32 v10, v13  }
0x7b: {  	s23 =	simm.s32 $0x400;
	v7 =	vld.idx.msk [tilespmem:v0+s21+$0xFFFFFFE0 ss:$0x1], $0xffff;
	v9 =	vadd.f32 v8, v14;
	v8 =	vadd.f32 v12, v15  }
.LBB2_9:
0x7c: {  	p0 =	sne.s32 s23, $0x3000;
	v12 =	vld.idx.msk [tilespmem:v0+s21+$0xFFFFFFF0 ss:$0x1], $0xffff;
	v11 =	vadd.f32 v2, v11;
	v10 =	vadd.f32 v4, v10  }
0x7d: {  	v13 =	vmov v3;
	v2 =	vld.idx.msk [tilespmem:v0+s21+$0x20 ss:$0x1], $0xffff  }
0x7e: {  	v14 =	vmov v1;
	v4 =	vld.idx.msk [tilespmem:v0+s21+$0x30 ss:$0x1], $0xffff;
	s21 =	sshra.s32 s23, $0x2  }
.Ltmp3:
0x7f: {  	v3 =	vld.idx.msk [tilespmem:v0+s21+$0x0 ss:$0x1], $0xffff;
	(pc) =	sbr.rel @p0 .LBB2_9-.Ltmp3, $4  }
0x80: {  	v1 =	vld.idx.msk [tilespmem:v0+s21+$0x10 ss:$0x1], $0xffff  }
0x81: {  	v9 =	vadd.f32 v5, v9;
	v8 =	vadd.f32 v6, v8;
	v5 =	vld.idx.msk [tilespmem:v0+s21+$0xFFFFFFC0 ss:$0x1], $0xffff  }
0x82: {  	v11 =	vadd.f32 v7, v11;
	v10 =	vadd.f32 v12, v10;
	v6 =	vld.idx.msk [tilespmem:v0+s21+$0xFFFFFFD0 ss:$0x1], $0xffff  }
0x83: {  	s23 =	sadd.s32 $0x200, s23;
	v9 =	vadd.f32 v13, v9;
	v8 =	vadd.f32 v14, v8;
	v7 =	vld.idx.msk [tilespmem:v0+s21+$0xFFFFFFE0 ss:$0x1], $0xffff  }
0x84: {  	_ =	sdelay $0x3  }
0x85: {  	v12 =	vld.idx.msk [tilespmem:v0+s21+$0xFFFFFFF0 ss:$0x1], $0xffff  }
0x86: {  	v13 =	vld.idx.msk [tilespmem:v0+s21+$0x20 ss:$0x1], $0xffff  }
0x87: {  	v2 =	vadd.f32 v2, v11;
	v63 =	vld.idx.msk [tilespmem:v0+s21+$0x30 ss:$0x1], $0xffff;
	v5 =	vadd.f32 v5, v9  }
0x88: {  	v4 =	vadd.f32 v4, v10;
	v6 =	vadd.f32 v6, v8  }
0x89: {  	v2 =	vadd.f32 v7, v2;
	v3 =	vadd.f32 v3, v5  }
0x8a: {  	s23 =	sshll.u32 s17, $0x6;
	s17 =	sadd.s32 $0x1, s17;
	v4 =	vadd.f32 v12, v4;
	v1 =	vadd.f32 v1, v6  }
0x8b: {  	p0 =	sne.s32 s17, $0x8;
	v2 =	vadd.f32 v13, v2;
	v3 =	vmul.f32 $1.999999960e-02, v3  }
.Ltmp4:
0x8c: {  	s21 =	sand.u32 $0x3FFFFFC0, s23;
	v0 =	vadd.f32 v63, v4;
	v1 =	vmul.f32 $1.999999960e-02, v1;
	(pc) =	sbr.rel @p0 .LBB2_8-.Ltmp4, $4  }
0x8d: {  	[tilespmem:s21+$0xD040] =	vst v3;
	v2 =	vmul.f32 $1.999999960e-02, v2  }
0x8e: {  	[tilespmem:s21+$0xD050] =	vst v1;
	v0 =	vmul.f32 $1.999999960e-02, v0  }
0x8f: {  	[tilespmem:s21+$0xD060] =	vst v2  }
0x90: {  	s19 =	sadd.s32 $0xC80, s19;
	[tilespmem:s21+$0xD070] =	vst v0  }
0x91: {  	_ =	swait.ge [sflag:s16], $0x2000  }
0x92: {  	[sflag:s16] =	ssyncset.done $0x0  }
0x93: {  	[sflag:s16] =	ssyncadd.s32 $0xFFFFE000  }
0x94: {  	_ =	swait.ge [sflag:s16], $0x2000  }
0x95: {  	[sflag:s16] =	ssyncset.done $0x0  }
0x96: {  	[sflag:s16] =	ssyncadd.s32 $0xFFFFE000  }
0x97: {  	_ =	swait.ge [sflag:s16], $0x2000  }
0x98: {  	[sflag:s16] =	ssyncset.done $0x0  }
0x99: {  	[sflag:s16] =	ssyncadd.s32 $0xFFFFE000  }
0x9a: {  	_ =	swait.ge [sflag:s16], $0x400  }
0x9b: {  	[sflag:s16] =	ssyncset.done $0x0  }
0x9c: {  	[sflag:s16] =	ssyncadd.s32 $0xFFFFFC00  }
0x9d: {  	[tilespmem:s18], [sflag:$0x1] =	stream.indirect.gather [hbm4b:s3+s8], $0x40, s30, s8, $0xb8;
	[tilespmem:$0xD640] =	vst v63  }
0x9e: {  	_ = 	snop  }
0x9f: {  	[tilespmem:s20], [sflag:$0x1] =	stream.indirect.gather [hbm4b:s3+s8], $0x40, s31, s8, $0xb8;
	[tilespmem:$0xD640] =	vst v63  }
0xa0: {  	_ = 	snop  }
0xa1: {  	[tilespmem:s22], [sflag:$0x1] =	stream.indirect.gather [hbm4b:s3+s8], $0x40, s1, s8, $0xb8;
	[tilespmem:$0xD640] =	vst v63  }
0xa2: {  	s17 =	simm.s32 $0x0;
	s19 =	simm.s32 $0x680  }
0xa3: {  	[tilespmem:s24], [sflag:$0x1] =	stream.indirect.gather [hbm4b:s3+s13], $0x40, s0, s13, $0xb8;
	[tilespmem:$0xD640] =	vst v63  }
.LBB2_12:
0xa4: {  	v0 =	vmov s19;
	_ =	sdelay $0x3  }
0xa5: {  	s23 =	simm.s32 $0x0  }
0xa6: {  	v8 =	vld.idx.msk [tilespmem:v0+s23+$0x0 ss:$0x1], $0xffff  }
0xa7: {  	v12 =	vld.idx.msk [tilespmem:v0+s23+$0x10 ss:$0x1], $0xffff  }
0xa8: {  	v6 =	vld.idx.msk [tilespmem:v0+s23+$0xFFFFFFC0 ss:$0x1], $0xffff  }
0xa9: {  	v7 =	vld.idx.msk [tilespmem:v0+s23+$0xFFFFFFD0 ss:$0x1], $0xffff  }
0xaa: {  	v9 =	vld.idx.msk [tilespmem:v0+s23+$0xFFFFFFE0 ss:$0x1], $0xffff  }
0xab: {  	v10 =	vld.idx.msk [tilespmem:v0+s23+$0xFFFFFFF0 ss:$0x1], $0xffff  }
0xac: {  	v2 =	vld.idx.msk [tilespmem:v0+s23+$0x20 ss:$0x1], $0xffff  }
0xad: {  	s21 =	simm.s32 $0x80;
	v4 =	vld.idx.msk [tilespmem:v0+s23+$0x30 ss:$0x1], $0xffff  }
0xae: {  	v3 =	vld.idx.msk [tilespmem:v0+s21+$0x0 ss:$0x1], $0xffff  }
0xaf: {  	v13 =	vimm.f32 $0.0e+00;
	v1 =	vld.idx.msk [tilespmem:v0+s21+$0x10 ss:$0x1], $0xffff  }
0xb0: {  	v5 =	vld.idx.msk [tilespmem:v0+s21+$0xFFFFFFC0 ss:$0x1], $0xffff;
	v14 =	vadd.f32 v6, v13;
	v15 =	vadd.f32 v7, v13  }
0xb1: {  	v6 =	vld.idx.msk [tilespmem:v0+s21+$0xFFFFFFD0 ss:$0x1], $0xffff;
	v11 =	vadd.f32 v9, v13;
	v10 =	vadd.f32 v10, v13  }
0xb2: {  	s23 =	simm.s32 $0x400;
	v7 =	vld.idx.msk [tilespmem:v0+s21+$0xFFFFFFE0 ss:$0x1], $0xffff;
	v9 =	vadd.f32 v8, v14;
	v8 =	vadd.f32 v12, v15  }
.LBB2_13:
0xb3: {  	p0 =	sne.s32 s23, $0x3000;
	v12 =	vld.idx.msk [tilespmem:v0+s21+$0xFFFFFFF0 ss:$0x1], $0xffff;
	v11 =	vadd.f32 v2, v11;
	v10 =	vadd.f32 v4, v10  }
0xb4: {  	v13 =	vmov v3;
	v2 =	vld.idx.msk [tilespmem:v0+s21+$0x20 ss:$0x1], $0xffff  }
0xb5: {  	v14 =	vmov v1;
	v4 =	vld.idx.msk [tilespmem:v0+s21+$0x30 ss:$0x1], $0xffff;
	s21 =	sshra.s32 s23, $0x2  }
.Ltmp5:
0xb6: {  	v3 =	vld.idx.msk [tilespmem:v0+s21+$0x0 ss:$0x1], $0xffff;
	(pc) =	sbr.rel @p0 .LBB2_13-.Ltmp5, $4  }
0xb7: {  	v1 =	vld.idx.msk [tilespmem:v0+s21+$0x10 ss:$0x1], $0xffff  }
0xb8: {  	v9 =	vadd.f32 v5, v9;
	v8 =	vadd.f32 v6, v8;
	v5 =	vld.idx.msk [tilespmem:v0+s21+$0xFFFFFFC0 ss:$0x1], $0xffff  }
0xb9: {  	v11 =	vadd.f32 v7, v11;
	v10 =	vadd.f32 v12, v10;
	v6 =	vld.idx.msk [tilespmem:v0+s21+$0xFFFFFFD0 ss:$0x1], $0xffff  }
0xba: {  	s23 =	sadd.s32 $0x200, s23;
	v9 =	vadd.f32 v13, v9;
	v8 =	vadd.f32 v14, v8;
	v7 =	vld.idx.msk [tilespmem:v0+s21+$0xFFFFFFE0 ss:$0x1], $0xffff  }
0xbb: {  	_ =	sdelay $0x3  }
0xbc: {  	v12 =	vld.idx.msk [tilespmem:v0+s21+$0xFFFFFFF0 ss:$0x1], $0xffff  }
0xbd: {  	v13 =	vld.idx.msk [tilespmem:v0+s21+$0x20 ss:$0x1], $0xffff  }
0xbe: {  	v2 =	vadd.f32 v2, v11;
	v63 =	vld.idx.msk [tilespmem:v0+s21+$0x30 ss:$0x1], $0xffff;
	v5 =	vadd.f32 v5, v9  }
0xbf: {  	v4 =	vadd.f32 v4, v10;
	v6 =	vadd.f32 v6, v8  }
0xc0: {  	v2 =	vadd.f32 v7, v2;
	v3 =	vadd.f32 v3, v5  }
0xc1: {  	s23 =	sshll.u32 s17, $0x6;
	s17 =	sadd.s32 $0x1, s17;
	v4 =	vadd.f32 v12, v4;
	v1 =	vadd.f32 v1, v6  }
0xc2: {  	p0 =	sne.s32 s17, $0x8;
	v2 =	vadd.f32 v13, v2;
	v3 =	vmul.f32 $1.999999960e-02, v3  }
.Ltmp6:
0xc3: {  	s21 =	sand.u32 $0x3FFFFFC0, s23;
	v0 =	vadd.f32 v63, v4;
	v1 =	vmul.f32 $1.999999960e-02, v1;
	(pc) =	sbr.rel @p0 .LBB2_12-.Ltmp6, $4  }
0xc4: {  	[tilespmem:s21+$0xD240] =	vst v3;
	v2 =	vmul.f32 $1.999999960e-02, v2  }
0xc5: {  	[tilespmem:s21+$0xD250] =	vst v1;
	v0 =	vmul.f32 $1.999999960e-02, v0  }
0xc6: {  	[tilespmem:s21+$0xD260] =	vst v2  }
0xc7: {  	s19 =	sadd.s32 $0xC80, s19;
	[tilespmem:s21+$0xD270] =	vst v0  }
0xc8: {  	_ =	swait.ge [sflag:s16], $0x2000  }
0xc9: {  	[sflag:s16] =	ssyncset.done $0x0  }
0xca: {  	[sflag:s16] =	ssyncadd.s32 $0xFFFFE000  }
0xcb: {  	_ =	swait.ge [sflag:s16], $0x2000  }
0xcc: {  	[sflag:s16] =	ssyncset.done $0x0  }
0xcd: {  	[sflag:s16] =	ssyncadd.s32 $0xFFFFE000  }
0xce: {  	_ =	swait.ge [sflag:s16], $0x2000  }
0xcf: {  	[sflag:s16] =	ssyncset.done $0x0  }
0xd0: {  	[sflag:s16] =	ssyncadd.s32 $0xFFFFE000  }
0xd1: {  	_ =	swait.ge [sflag:s16], $0x400  }
0xd2: {  	[sflag:s16] =	ssyncset.done $0x0  }
0xd3: {  	s17 =	simm.s32 $0x0;
	s19 =	simm.s32 $0x6A80;
	[sflag:s16] =	ssyncadd.s32 $0xFFFFFC00  }
.LBB2_16:
0xd4: {  	v0 =	vmov s19;
	_ =	sdelay $0x3  }
0xd5: {  	s23 =	simm.s32 $0x0  }
0xd6: {  	v8 =	vld.idx.msk [tilespmem:v0+s23+$0x0 ss:$0x1], $0xffff  }
0xd7: {  	v12 =	vld.idx.msk [tilespmem:v0+s23+$0x10 ss:$0x1], $0xffff  }
0xd8: {  	v6 =	vld.idx.msk [tilespmem:v0+s23+$0xFFFFFFC0 ss:$0x1], $0xffff  }
0xd9: {  	v7 =	vld.idx.msk [tilespmem:v0+s23+$0xFFFFFFD0 ss:$0x1], $0xffff  }
0xda: {  	v9 =	vld.idx.msk [tilespmem:v0+s23+$0xFFFFFFE0 ss:$0x1], $0xffff  }
0xdb: {  	v10 =	vld.idx.msk [tilespmem:v0+s23+$0xFFFFFFF0 ss:$0x1], $0xffff  }
0xdc: {  	v2 =	vld.idx.msk [tilespmem:v0+s23+$0x20 ss:$0x1], $0xffff  }
0xdd: {  	s21 =	simm.s32 $0x80;
	v4 =	vld.idx.msk [tilespmem:v0+s23+$0x30 ss:$0x1], $0xffff  }
0xde: {  	v3 =	vld.idx.msk [tilespmem:v0+s21+$0x0 ss:$0x1], $0xffff  }
0xdf: {  	v13 =	vimm.f32 $0.0e+00;
	v1 =	vld.idx.msk [tilespmem:v0+s21+$0x10 ss:$0x1], $0xffff  }
0xe0: {  	v5 =	vld.idx.msk [tilespmem:v0+s21+$0xFFFFFFC0 ss:$0x1], $0xffff;
	v14 =	vadd.f32 v6, v13;
	v15 =	vadd.f32 v7, v13  }
0xe1: {  	v6 =	vld.idx.msk [tilespmem:v0+s21+$0xFFFFFFD0 ss:$0x1], $0xffff;
	v11 =	vadd.f32 v9, v13;
	v10 =	vadd.f32 v10, v13  }
0xe2: {  	s23 =	simm.s32 $0x400;
	v7 =	vld.idx.msk [tilespmem:v0+s21+$0xFFFFFFE0 ss:$0x1], $0xffff;
	v9 =	vadd.f32 v8, v14;
	v8 =	vadd.f32 v12, v15  }
.LBB2_17:
0xe3: {  	p0 =	sne.s32 s23, $0x3000;
	v12 =	vld.idx.msk [tilespmem:v0+s21+$0xFFFFFFF0 ss:$0x1], $0xffff;
	v11 =	vadd.f32 v2, v11;
	v10 =	vadd.f32 v4, v10  }
0xe4: {  	v13 =	vmov v3;
	v2 =	vld.idx.msk [tilespmem:v0+s21+$0x20 ss:$0x1], $0xffff  }
0xe5: {  	v14 =	vmov v1;
	v4 =	vld.idx.msk [tilespmem:v0+s21+$0x30 ss:$0x1], $0xffff;
	s21 =	sshra.s32 s23, $0x2  }
.Ltmp7:
0xe6: {  	v3 =	vld.idx.msk [tilespmem:v0+s21+$0x0 ss:$0x1], $0xffff;
	(pc) =	sbr.rel @p0 .LBB2_17-.Ltmp7, $4  }
0xe7: {  	v1 =	vld.idx.msk [tilespmem:v0+s21+$0x10 ss:$0x1], $0xffff  }
0xe8: {  	v9 =	vadd.f32 v5, v9;
	v8 =	vadd.f32 v6, v8;
	v5 =	vld.idx.msk [tilespmem:v0+s21+$0xFFFFFFC0 ss:$0x1], $0xffff  }
0xe9: {  	v11 =	vadd.f32 v7, v11;
	v10 =	vadd.f32 v12, v10;
	v6 =	vld.idx.msk [tilespmem:v0+s21+$0xFFFFFFD0 ss:$0x1], $0xffff  }
0xea: {  	s23 =	sadd.s32 $0x200, s23;
	v9 =	vadd.f32 v13, v9;
	v8 =	vadd.f32 v14, v8;
	v7 =	vld.idx.msk [tilespmem:v0+s21+$0xFFFFFFE0 ss:$0x1], $0xffff  }
0xeb: {  	_ =	sdelay $0x3  }
0xec: {  	v12 =	vld.idx.msk [tilespmem:v0+s21+$0xFFFFFFF0 ss:$0x1], $0xffff  }
0xed: {  	v13 =	vld.idx.msk [tilespmem:v0+s21+$0x20 ss:$0x1], $0xffff  }
0xee: {  	v2 =	vadd.f32 v2, v11;
	v63 =	vld.idx.msk [tilespmem:v0+s21+$0x30 ss:$0x1], $0xffff;
	v5 =	vadd.f32 v5, v9  }
0xef: {  	v4 =	vadd.f32 v4, v10;
	v6 =	vadd.f32 v6, v8  }
0xf0: {  	v2 =	vadd.f32 v7, v2;
	v3 =	vadd.f32 v3, v5  }
0xf1: {  	s23 =	sshll.u32 s17, $0x6;
	s17 =	sadd.s32 $0x1, s17;
	v4 =	vadd.f32 v12, v4;
	v1 =	vadd.f32 v1, v6  }
0xf2: {  	p0 =	sne.s32 s17, $0x8;
	v2 =	vadd.f32 v13, v2;
	v3 =	vmul.f32 $1.999999960e-02, v3  }
.Ltmp8:
0xf3: {  	s21 =	sand.u32 $0x3FFFFFC0, s23;
	v0 =	vadd.f32 v63, v4;
	v1 =	vmul.f32 $1.999999960e-02, v1;
	(pc) =	sbr.rel @p0 .LBB2_16-.Ltmp8, $4  }
0xf4: {  	[tilespmem:s21+$0xD440] =	vst v3;
	v2 =	vmul.f32 $1.999999960e-02, v2  }
0xf5: {  	[tilespmem:s21+$0xD450] =	vst v1;
	v0 =	vmul.f32 $1.999999960e-02, v0  }
0xf6: {  	[tilespmem:s21+$0xD460] =	vst v2  }
0xf7: {  	s19 =	sadd.s32 $0xC80, s19;
	[tilespmem:s21+$0xD470] =	vst v0  }
0xf8: {  	s14 =	sadd.s32 $0x1, s14  }
0xf9: {  	p0 =	sne.s32 s14, s6  }
.Ltmp9:
0xfa: {  	_ = 	snop;
	(pc) =	sbr.rel @p0 .LBB2_1-.Ltmp9, $4  }
0xfb: {  	[hbm4b:s5+s2] =	stream.linear.scatter [tilespmem:s11], [sflag:$0x2], $0x800, $0x38;
	[tilespmem:$0xD640] =	vst v63  }
0xfc: {  	_ =	swait.ge [sflag:s7], $0x800  }
0xfd: {  	[sflag:s7] =	ssyncset.done $0x0  }
0xfe: {  	[sflag:s7] =	ssyncadd.s32 $0xFFFFF800  }
0xff: {  	_ =	sfence.sel $0x180000  }
0x100: {  	[bflag:$0x0] =	sbarrier.arrive $0xFFFF  }
0x101: {  	_ =	strace $0x90000047  }
0x102: {  	s0 =	stileid.u32;
	[bflag:$0x2] =	sbarrier.arrive $0xFFFF  }
0x103: {  	p0 =	sne.s32 s0, $0x0;
	s0 =	rddreg [dreg:$0x2]  }
0x104: {  	s0 =	sadd.s32 @!p0 $0x100000, s0  }
0x105: {  	[sflag:s0] =	ssyncadd.tile.s32 @!p0 $0x1;
	_ =	shalt  }
.Lfunc_end2:
_tile_overlayer_lowered:
.L_overlay_start_2:
0x106: {  	(tag) =	ssettag $0x2  }
0x107: {  	s0 =	rddreg [dreg:$0x0];
	s2 =	stileid.u32  }
0x108: {  	s1 =	rddreg [dreg:$0x1];
	p0 =	sne.s32 s2, $0x0  }
0x109: {  	s3 =	rddreg [dreg:$0x2];
	[bflag:$0x3] =	sbarrier.arrive $0xFFFF;
	s2 =	simm.s32 @!p0 $0x1C02  }
0x10a: {  	[timem:s3], [sflag:s2] =	dma.local @!p0 [hbm:s0], s1  }
0x10b: {  	s0 =	simm.s32 @!p0 $0x2  }
0x10c: {  	_ =	swait.ge @!p0 [sflag:s0], s1  }
0x10d: {  	s1 =	ssub.s32 @!p0 $0x0, s1;
	[sflag:s0] =	ssyncset.done @!p0 $0x0  }
0x10e: {  	[sflag:s0] =	ssyncadd.s32 @!p0 s1  }
0x10f: {  	[bflag:$0x3] =	sbarrier.arrive $0xFFFF  }
0x110: {  	_ =	shalt  }

</sc_bundles>
